<compile_context>
chip_gen: v7x
topology: tpu7x:2x2x1
jax: 0.10.2.dev20260603
libtpu: 0.0.44.dev20260713+nightly
codegen_flags: <defaults>
</compile_context>

<pallas_src>
import functools

import jax
import jax.numpy as jnp
from jax import lax
from jax.experimental import pallas as pl
from jax.experimental.pallas import tpu as pltpu
from jax.experimental.pallas import tpu_sc as plsc

VOCAB = 100000
EMBED_DIM = 64
BATCH = 16384

_NUM_CORES = 2
_NUM_SUBCORES = 16
_NUM_WORKERS = _NUM_CORES * _NUM_SUBCORES
_DIMS_PER_W = EMBED_DIM // _NUM_WORKERS
_OUT_CHUNK = 4096
_NCHUNK = BATCH // _OUT_CHUNK

_mesh = plsc.VectorSubcoreMesh(core_axis_name="c", subcore_axis_name="s")


@functools.partial(
    pl.kernel,
    mesh=_mesh,
    out_type=jax.ShapeDtypeStruct((EMBED_DIM, BATCH), jnp.float32),
    scratch_types=[
        pltpu.VMEM((BATCH,), jnp.int32),
        pltpu.VMEM((VOCAB,), jnp.float32),
        pltpu.VMEM((_OUT_CHUNK,), jnp.float32),
        pltpu.VMEM((_OUT_CHUNK,), jnp.float32),
        pltpu.SemaphoreType.DMA,
        pltpu.SemaphoreType.DMA,
        pltpu.SemaphoreType.DMA,
    ],
    compiler_params=pltpu.CompilerParams(needs_layout_passes=False),
)
def _gather_sc(idx_hbm, tablet_hbm, outt_hbm, idx_v, row_v, out_a, out_b,
               sem_row, sem_a, sem_b):
    wid = lax.axis_index("s") * _NUM_CORES + lax.axis_index("c")
    row_copy = pltpu.async_copy(tablet_hbm.at[wid * _DIMS_PER_W], row_v,
                                sem_row)
    pltpu.sync_copy(idx_hbm, idx_v)
    row_copy.wait()

    out_bufs = (out_a, out_b)
    out_sems = (sem_a, sem_b)

    for r in range(_DIMS_PER_W):
        c = wid * _DIMS_PER_W + r
        for ck in range(_NCHUNK):
            buf = out_bufs[ck % 2]
            if r > 0 or ck >= 2:
                pltpu.make_async_copy(
                    buf, outt_hbm.at[c, pl.ds(0, _OUT_CHUNK)],
                    out_sems[ck % 2]).wait()

            def grp_body(g, carry):
                idx16 = idx_v[pl.ds(ck * _OUT_CHUNK + g * 16, 16)]
                buf[pl.ds(g * 16, 16)] = plsc.load_gather(row_v, [idx16])
                return carry

            lax.fori_loop(0, _OUT_CHUNK // 16, grp_body, 0, unroll=8)
            pltpu.async_copy(buf,
                             outt_hbm.at[c, pl.ds(ck * _OUT_CHUNK, _OUT_CHUNK)],
                             out_sems[ck % 2])
        if r + 1 < _DIMS_PER_W:
            pltpu.sync_copy(tablet_hbm.at[c + 1], row_v)

    for k in range(2):
        pltpu.make_async_copy(
            out_bufs[k],
            outt_hbm.at[wid * _DIMS_PER_W + _DIMS_PER_W - 1,
                        pl.ds(0, _OUT_CHUNK)],
            out_sems[k]).wait()


@jax.jit
def kernel(i, data):
    return _gather_sc(i, data.T).T

# --- scband reference (transcript-rebuilt; emitter-appended) ---
"""Pipeline reference for scband-side-information-25503515804055 (READ-ONLY COPY).

The authoritative reference and input builder live on the scoring server;
editing this copy changes nothing except your own understanding.
"""

import jax, jax.numpy as jnp
import numpy as np

VOCAB = 100000
EMBED_DIM = 64
BATCH = 16384


def setup_inputs(seed: int = 0) -> dict:
    key = jax.random.key(seed)
    k_data, k_idx = jax.random.split(key)
    # 'data' is the side-information lookup table passed to __init__ in the
    # original haiku module; here it is materialized as a learned parameter.
    data = jax.random.normal(k_data, (VOCAB, EMBED_DIM), dtype=jnp.float32)
    i = jax.random.randint(k_idx, (BATCH,), 0, VOCAB, dtype=jnp.int32)
    return {"i": i, "data": data}


def reference(i, data):
    # Faithful translation of SideInformation.__call__: return self.data[i]
    return jnp.take(data, i, axis=0)

if __name__ == "__main__":
    import jax
    _d = setup_inputs()
    print(jax.jit(kernel)(*tuple(_d.values())))

</pallas_src>

<mosaic_0001>
#map = affine_map<(d0, d1) -> (0)>
#map1 = affine_map<(d0, d1) -> (0, 0)>
module attributes {stable_mosaic.version = 14 : i64} {
  func.func @_gather_sc(%arg0: i32, %arg1: i32, %arg2: memref<16384xi32, #tpu.memory_space<hbm>>, %arg3: memref<64x100000xf32, #tpu.memory_space<hbm>>, %arg4: memref<64x16384xf32, #tpu.memory_space<hbm>>, %arg5: memref<16384xi32, #tpu.memory_space<vmem>>, %arg6: memref<100000xf32, #tpu.memory_space<vmem>>, %arg7: memref<4096xf32, #tpu.memory_space<vmem>>, %arg8: memref<4096xf32, #tpu.memory_space<vmem>>, %arg9: memref<!tpu.dma_semaphore, #tpu.memory_space<semaphore_mem>>, %arg10: memref<!tpu.dma_semaphore, #tpu.memory_space<semaphore_mem>>, %arg11: memref<!tpu.dma_semaphore, #tpu.memory_space<semaphore_mem>>) attributes {dimension_semantics = [#tpu.dimension_semantics<core_parallel>, #tpu.dimension_semantics<subcore_parallel>], iteration_bounds = array<i64: 2, 16>, scalar_prefetch = 0 : i64, scratch_operands = 7 : i64, tpu.core_type = #tpu.core_type<sc_vector_subcore>, window_params = [{transform_indices = #map}, {transform_indices = #map1}, {transform_indices = #map1}]} {
    %mul3A = arith.constant 2 : i32
    %mul3A_0 = arith.muli %arg1, %mul3A : i32
    %add3A = arith.addi %mul3A_0, %arg0 : i32
    %mul3A_1 = arith.constant 2 : i32
    %mul3A_2 = arith.muli %add3A, %mul3A_1 : i32
    %dma_start3A = arith.constant 0 : i32
    %dma_start3A_3 = tpu.memref_slice %arg3[%mul3A_2, %dma_start3A] : memref<64x100000xf32, #tpu.memory_space<hbm>> -> memref<1x100000xf32, #tpu.memory_space<hbm>>
    %dma_start3A_4 = tpu.memref_squeeze %dma_start3A_3 : memref<1x100000xf32, #tpu.memory_space<hbm>> -> memref<100000xf32, #tpu.memory_space<hbm>>
    %dma_start3A_5 = arith.constant 0 : i32
    %dma_start3A_6 = tpu.memref_slice %arg3[%mul3A_2, %dma_start3A_5] : memref<64x100000xf32, #tpu.memory_space<hbm>> -> memref<1x100000xf32, #tpu.memory_space<hbm>>
    %dma_start3A_7 = tpu.memref_squeeze %dma_start3A_6 : memref<1x100000xf32, #tpu.memory_space<hbm>> -> memref<100000xf32, #tpu.memory_space<hbm>>
    tpu.enqueue_dma source(%dma_start3A_7 : memref<100000xf32, #tpu.memory_space<hbm>>) target(%arg6 : memref<100000xf32, #tpu.memory_space<vmem>>) target_semaphore(%arg9 : memref<!tpu.dma_semaphore, #tpu.memory_space<semaphore_mem>>)
    "tpu.region"() ({
      %run_scoped3A = tpu.sem_alloc : memref<!tpu.dma_semaphore, #tpu.memory_space<semaphore_mem>>
      tpu.enqueue_dma source(%arg2 : memref<16384xi32, #tpu.memory_space<hbm>>) target(%arg5 : memref<16384xi32, #tpu.memory_space<vmem>>) target_semaphore(%run_scoped3A : memref<!tpu.dma_semaphore, #tpu.memory_space<semaphore_mem>>)
      tpu.wait_dma2 semaphore(%run_scoped3A : memref<!tpu.dma_semaphore, #tpu.memory_space<semaphore_mem>>) src(%arg2 : memref<16384xi32, #tpu.memory_space<hbm>>) dst(%arg5 : memref<16384xi32, #tpu.memory_space<vmem>>)
      tpu.yield
    }) : () -> ()
    %dma_wait3A = arith.constant 0 : i32
    %dma_wait3A_8 = tpu.memref_slice %arg3[%mul3A_2, %dma_wait3A] : memref<64x100000xf32, #tpu.memory_space<hbm>> -> memref<1x100000xf32, #tpu.memory_space<hbm>>
    %dma_wait3A_9 = tpu.memref_squeeze %dma_wait3A_8 : memref<1x100000xf32, #tpu.memory_space<hbm>> -> memref<100000xf32, #tpu.memory_space<hbm>>
    %dma_wait3A_10 = arith.constant 0 : i32
    %dma_wait3A_11 = tpu.memref_slice %arg3[%mul3A_2, %dma_wait3A_10] : memref<64x100000xf32, #tpu.memory_space<hbm>> -> memref<1x100000xf32, #tpu.memory_space<hbm>>
    %dma_wait3A_12 = tpu.memref_squeeze %dma_wait3A_11 : memref<1x100000xf32, #tpu.memory_space<hbm>> -> memref<100000xf32, #tpu.memory_space<hbm>>
    tpu.wait_dma2 semaphore(%arg9 : memref<!tpu.dma_semaphore, #tpu.memory_space<semaphore_mem>>) src(%dma_wait3A_12 : memref<100000xf32, #tpu.memory_space<hbm>>) dst(%arg6 : memref<100000xf32, #tpu.memory_space<vmem>>)
    %mul3A_13 = arith.constant 2 : i32
    %mul3A_14 = arith.muli %add3A, %mul3A_13 : i32
    %add3A_15 = arith.constant 0 : i32
    %add3A_16 = arith.addi %mul3A_14, %add3A_15 : i32
    %scan3A = arith.constant 0 : i32
    %scan3A_17 = arith.constant 0 : i32
    %scan3A_18 = arith.constant 256 : i32
    %scan3A_19 = arith.addi %scan3A_17, %scan3A_18 : i32
    %scan3A_20 = arith.constant 8 : i32
    scf.for %scan3A_177 = %scan3A_17 to %scan3A_19 step %scan3A_20  : i32 {
      %mul3A_178 = arith.constant 16 : i32
      %mul3A_179 = arith.muli %scan3A_177, %mul3A_178 : i32
      %add3A_180 = arith.constant 0 : i32
      %add3A_181 = arith.addi %add3A_180, %mul3A_179 : i32
      %get3A = arith.index_cast %add3A_181 : i32 to index
      %get3A_182 = tpu.vector_load %arg5[%get3A] {strides = array<i32>} : memref<16384xi32, #tpu.memory_space<vmem>>, vector<16xi32>,
      %gather3A = tpu.vector_load_idx %arg6[%get3A_182] : memref<100000xf32, #tpu.memory_space<vmem>>[vector<16xi32>], vector<16xf32>,
      %mul3A_183 = arith.constant 16 : i32
      %mul3A_184 = arith.muli %scan3A_177, %mul3A_183 : i32
      %swap3A = arith.index_cast %mul3A_184 : i32 to index
      %swap3A_185 = tpu.vector_load %arg7[%swap3A] {strides = array<i32>} : memref<4096xf32, #tpu.memory_space<vmem>>, vector<16xf32>,
      tpu.vector_store %arg7[%swap3A], %gather3A {strides = array<i32>} : memref<4096xf32, #tpu.memory_space<vmem>>, vector<16xf32>,
      %scan3A_186 = arith.constant 1 : i32
      %scan3A_187 = arith.addi %scan3A_177, %scan3A_186 : i32
      %mul3A_188 = arith.constant 16 : i32
      %mul3A_189 = arith.muli %scan3A_187, %mul3A_188 : i32
      %add3A_190 = arith.constant 0 : i32
      %add3A_191 = arith.addi %add3A_190, %mul3A_189 : i32
      %get3A_192 = arith.index_cast %add3A_191 : i32 to index
      %get3A_193 = tpu.vector_load %arg5[%get3A_192] {strides = array<i32>} : memref<16384xi32, #tpu.memory_space<vmem>>, vector<16xi32>,
      %gather3A_194 = tpu.vector_load_idx %arg6[%get3A_193] : memref<100000xf32, #tpu.memory_space<vmem>>[vector<16xi32>], vector<16xf32>,
      %mul3A_195 = arith.constant 16 : i32
      %mul3A_196 = arith.muli %scan3A_187, %mul3A_195 : i32
      %swap3A_197 = arith.index_cast %mul3A_196 : i32 to index
      %swap3A_198 = tpu.vector_load %arg7[%swap3A_197] {strides = array<i32>} : memref<4096xf32, #tpu.memory_space<vmem>>, vector<16xf32>,
      tpu.vector_store %arg7[%swap3A_197], %gather3A_194 {strides = array<i32>} : memref<4096xf32, #tpu.memory_space<vmem>>, vector<16xf32>,
      %scan3A_199 = arith.constant 2 : i32
      %scan3A_200 = arith.addi %scan3A_177, %scan3A_199 : i32
      %mul3A_201 = arith.constant 16 : i32
      %mul3A_202 = arith.muli %scan3A_200, %mul3A_201 : i32
      %add3A_203 = arith.constant 0 : i32
      %add3A_204 = arith.addi %add3A_203, %mul3A_202 : i32
      %get3A_205 = arith.index_cast %add3A_204 : i32 to index
      %get3A_206 = tpu.vector_load %arg5[%get3A_205] {strides = array<i32>} : memref<16384xi32, #tpu.memory_space<vmem>>, vector<16xi32>,
      %gather3A_207 = tpu.vector_load_idx %arg6[%get3A_206] : memref<100000xf32, #tpu.memory_space<vmem>>[vector<16xi32>], vector<16xf32>,
      %mul3A_208 = arith.constant 16 : i32
      %mul3A_209 = arith.muli %scan3A_200, %mul3A_208 : i32
      %swap3A_210 = arith.index_cast %mul3A_209 : i32 to index
      %swap3A_211 = tpu.vector_load %arg7[%swap3A_210] {strides = array<i32>} : memref<4096xf32, #tpu.memory_space<vmem>>, vector<16xf32>,
      tpu.vector_store %arg7[%swap3A_210], %gather3A_207 {strides = array<i32>} : memref<4096xf32, #tpu.memory_space<vmem>>, vector<16xf32>,
      %scan3A_212 = arith.constant 3 : i32
      %scan3A_213 = arith.addi %scan3A_177, %scan3A_212 : i32
      %mul3A_214 = arith.constant 16 : i32
      %mul3A_215 = arith.muli %scan3A_213, %mul3A_214 : i32
      %add3A_216 = arith.constant 0 : i32
      %add3A_217 = arith.addi %add3A_216, %mul3A_215 : i32
      %get3A_218 = arith.index_cast %add3A_217 : i32 to index
      %get3A_219 = tpu.vector_load %arg5[%get3A_218] {strides = array<i32>} : memref<16384xi32, #tpu.memory_space<vmem>>, vector<16xi32>,
      %gather3A_220 = tpu.vector_load_idx %arg6[%get3A_219] : memref<100000xf32, #tpu.memory_space<vmem>>[vector<16xi32>], vector<16xf32>,
      %mul3A_221 = arith.constant 16 : i32
      %mul3A_222 = arith.muli %scan3A_213, %mul3A_221 : i32
      %swap3A_223 = arith.index_cast %mul3A_222 : i32 to index
      %swap3A_224 = tpu.vector_load %arg7[%swap3A_223] {strides = array<i32>} : memref<4096xf32, #tpu.memory_space<vmem>>, vector<16xf32>,
      tpu.vector_store %arg7[%swap3A_223], %gather3A_220 {strides = array<i32>} : memref<4096xf32, #tpu.memory_space<vmem>>, vector<16xf32>,
      %scan3A_225 = arith.constant 4 : i32
      %scan3A_226 = arith.addi %scan3A_177, %scan3A_225 : i32
      %mul3A_227 = arith.constant 16 : i32
      %mul3A_228 = arith.muli %scan3A_226, %mul3A_227 : i32
      %add3A_229 = arith.constant 0 : i32
      %add3A_230 = arith.addi %add3A_229, %mul3A_228 : i32
      %get3A_231 = arith.index_cast %add3A_230 : i32 to index
      %get3A_232 = tpu.vector_load %arg5[%get3A_231] {strides = array<i32>} : memref<16384xi32, #tpu.memory_space<vmem>>, vector<16xi32>,
      %gather3A_233 = tpu.vector_load_idx %arg6[%get3A_232] : memref<100000xf32, #tpu.memory_space<vmem>>[vector<16xi32>], vector<16xf32>,
      %mul3A_234 = arith.constant 16 : i32
      %mul3A_235 = arith.muli %scan3A_226, %mul3A_234 : i32
      %swap3A_236 = arith.index_cast %mul3A_235 : i32 to index
      %swap3A_237 = tpu.vector_load %arg7[%swap3A_236] {strides = array<i32>} : memref<4096xf32, #tpu.memory_space<vmem>>, vector<16xf32>,
      tpu.vector_store %arg7[%swap3A_236], %gather3A_233 {strides = array<i32>} : memref<4096xf32, #tpu.memory_space<vmem>>, vector<16xf32>,
      %scan3A_238 = arith.constant 5 : i32
      %scan3A_239 = arith.addi %scan3A_177, %scan3A_238 : i32
      %mul3A_240 = arith.constant 16 : i32
      %mul3A_241 = arith.muli %scan3A_239, %mul3A_240 : i32
      %add3A_242 = arith.constant 0 : i32
      %add3A_243 = arith.addi %add3A_242, %mul3A_241 : i32
      %get3A_244 = arith.index_cast %add3A_243 : i32 to index
      %get3A_245 = tpu.vector_load %arg5[%get3A_244] {strides = array<i32>} : memref<16384xi32, #tpu.memory_space<vmem>>, vector<16xi32>,
      %gather3A_246 = tpu.vector_load_idx %arg6[%get3A_245] : memref<100000xf32, #tpu.memory_space<vmem>>[vector<16xi32>], vector<16xf32>,
      %mul3A_247 = arith.constant 16 : i32
      %mul3A_248 = arith.muli %scan3A_239, %mul3A_247 : i32
      %swap3A_249 = arith.index_cast %mul3A_248 : i32 to index
      %swap3A_250 = tpu.vector_load %arg7[%swap3A_249] {strides = array<i32>} : memref<4096xf32, #tpu.memory_space<vmem>>, vector<16xf32>,
      tpu.vector_store %arg7[%swap3A_249], %gather3A_246 {strides = array<i32>} : memref<4096xf32, #tpu.memory_space<vmem>>, vector<16xf32>,
      %scan3A_251 = arith.constant 6 : i32
      %scan3A_252 = arith.addi %scan3A_177, %scan3A_251 : i32
      %mul3A_253 = arith.constant 16 : i32
      %mul3A_254 = arith.muli %scan3A_252, %mul3A_253 : i32
      %add3A_255 = arith.constant 0 : i32
      %add3A_256 = arith.addi %add3A_255, %mul3A_254 : i32
      %get3A_257 = arith.index_cast %add3A_256 : i32 to index
      %get3A_258 = tpu.vector_load %arg5[%get3A_257] {strides = array<i32>} : memref<16384xi32, #tpu.memory_space<vmem>>, vector<16xi32>,
      %gather3A_259 = tpu.vector_load_idx %arg6[%get3A_258] : memref<100000xf32, #tpu.memory_space<vmem>>[vector<16xi32>], vector<16xf32>,
      %mul3A_260 = arith.constant 16 : i32
      %mul3A_261 = arith.muli %scan3A_252, %mul3A_260 : i32
      %swap3A_262 = arith.index_cast %mul3A_261 : i32 to index
      %swap3A_263 = tpu.vector_load %arg7[%swap3A_262] {strides = array<i32>} : memref<4096xf32, #tpu.memory_space<vmem>>, vector<16xf32>,
      tpu.vector_store %arg7[%swap3A_262], %gather3A_259 {strides = array<i32>} : memref<4096xf32, #tpu.memory_space<vmem>>, vector<16xf32>,
      %scan3A_264 = arith.constant 7 : i32
      %scan3A_265 = arith.addi %scan3A_177, %scan3A_264 : i32
      %mul3A_266 = arith.constant 16 : i32
      %mul3A_267 = arith.muli %scan3A_265, %mul3A_266 : i32
      %add3A_268 = arith.constant 0 : i32
      %add3A_269 = arith.addi %add3A_268, %mul3A_267 : i32
      %get3A_270 = arith.index_cast %add3A_269 : i32 to index
      %get3A_271 = tpu.vector_load %arg5[%get3A_270] {strides = array<i32>} : memref<16384xi32, #tpu.memory_space<vmem>>, vector<16xi32>,
      %gather3A_272 = tpu.vector_load_idx %arg6[%get3A_271] : memref<100000xf32, #tpu.memory_space<vmem>>[vector<16xi32>], vector<16xf32>,
      %mul3A_273 = arith.constant 16 : i32
      %mul3A_274 = arith.muli %scan3A_265, %mul3A_273 : i32
      %swap3A_275 = arith.index_cast %mul3A_274 : i32 to index
      %swap3A_276 = tpu.vector_load %arg7[%swap3A_275] {strides = array<i32>} : memref<4096xf32, #tpu.memory_space<vmem>>, vector<16xf32>,
      tpu.vector_store %arg7[%swap3A_275], %gather3A_272 {strides = array<i32>} : memref<4096xf32, #tpu.memory_space<vmem>>, vector<16xf32>,
    }
    %scan3A_21 = arith.constant 256 : i32
    %dma_start3A_22 = arith.constant 0 : i32
    %dma_start3A_23 = tpu.memref_slice %arg4[%add3A_16, %dma_start3A_22] : memref<64x16384xf32, #tpu.memory_space<hbm>> -> memref<1x4096xf32, #tpu.memory_space<hbm>>
    %dma_start3A_24 = tpu.memref_squeeze %dma_start3A_23 : memref<1x4096xf32, #tpu.memory_space<hbm>> -> memref<4096xf32, #tpu.memory_space<hbm>>
    %dma_start3A_25 = arith.constant 0 : i32
    %dma_start3A_26 = tpu.memref_slice %arg4[%add3A_16, %dma_start3A_25] : memref<64x16384xf32, #tpu.memory_space<hbm>> -> memref<1x4096xf32, #tpu.memory_space<hbm>>
    %dma_start3A_27 = tpu.memref_squeeze %dma_start3A_26 : memref<1x4096xf32, #tpu.memory_space<hbm>> -> memref<4096xf32, #tpu.memory_space<hbm>>
    tpu.enqueue_dma source(%arg7 : memref<4096xf32, #tpu.memory_space<vmem>>) target(%dma_start3A_27 : memref<4096xf32, #tpu.memory_space<hbm>>) target_semaphore(%arg10 : memref<!tpu.dma_semaphore, #tpu.memory_space<semaphore_mem>>)
    %scan3A_28 = arith.constant 0 : i32
    %scan3A_29 = arith.constant 0 : i32
    %scan3A_30 = arith.constant 256 : i32
    %scan3A_31 = arith.addi %scan3A_29, %scan3A_30 : i32
    %scan3A_32 = arith.constant 8 : i32
    scf.for %scan3A_177 = %scan3A_29 to %scan3A_31 step %scan3A_32  : i32 {
      %mul3A_178 = arith.constant 16 : i32
      %mul3A_179 = arith.muli %scan3A_177, %mul3A_178 : i32
      %add3A_180 = arith.constant 4096 : i32
      %add3A_181 = arith.addi %add3A_180, %mul3A_179 : i32
      %get3A = arith.index_cast %add3A_181 : i32 to index
      %get3A_182 = tpu.vector_load %arg5[%get3A] {strides = array<i32>} : memref<16384xi32, #tpu.memory_space<vmem>>, vector<16xi32>,
      %gather3A = tpu.vector_load_idx %arg6[%get3A_182] : memref<100000xf32, #tpu.memory_space<vmem>>[vector<16xi32>], vector<16xf32>,
      %mul3A_183 = arith.constant 16 : i32
      %mul3A_184 = arith.muli %scan3A_177, %mul3A_183 : i32
      %swap3A = arith.index_cast %mul3A_184 : i32 to index
      %swap3A_185 = tpu.vector_load %arg8[%swap3A] {strides = array<i32>} : memref<4096xf32, #tpu.memory_space<vmem>>, vector<16xf32>,
      tpu.vector_store %arg8[%swap3A], %gather3A {strides = array<i32>} : memref<4096xf32, #tpu.memory_space<vmem>>, vector<16xf32>,
      %scan3A_186 = arith.constant 1 : i32
      %scan3A_187 = arith.addi %scan3A_177, %scan3A_186 : i32
      %mul3A_188 = arith.constant 16 : i32
      %mul3A_189 = arith.muli %scan3A_187, %mul3A_188 : i32
      %add3A_190 = arith.constant 4096 : i32
      %add3A_191 = arith.addi %add3A_190, %mul3A_189 : i32
      %get3A_192 = arith.index_cast %add3A_191 : i32 to index
      %get3A_193 = tpu.vector_load %arg5[%get3A_192] {strides = array<i32>} : memref<16384xi32, #tpu.memory_space<vmem>>, vector<16xi32>,
      %gather3A_194 = tpu.vector_load_idx %arg6[%get3A_193] : memref<100000xf32, #tpu.memory_space<vmem>>[vector<16xi32>], vector<16xf32>,
      %mul3A_195 = arith.constant 16 : i32
      %mul3A_196 = arith.muli %scan3A_187, %mul3A_195 : i32
      %swap3A_197 = arith.index_cast %mul3A_196 : i32 to index
      %swap3A_198 = tpu.vector_load %arg8[%swap3A_197] {strides = array<i32>} : memref<4096xf32, #tpu.memory_space<vmem>>, vector<16xf32>,
      tpu.vector_store %arg8[%swap3A_197], %gather3A_194 {strides = array<i32>} : memref<4096xf32, #tpu.memory_space<vmem>>, vector<16xf32>,
      %scan3A_199 = arith.constant 2 : i32
      %scan3A_200 = arith.addi %scan3A_177, %scan3A_199 : i32
      %mul3A_201 = arith.constant 16 : i32
      %mul3A_202 = arith.muli %scan3A_200, %mul3A_201 : i32
      %add3A_203 = arith.constant 4096 : i32
      %add3A_204 = arith.addi %add3A_203, %mul3A_202 : i32
      %get3A_205 = arith.index_cast %add3A_204 : i32 to index
      %get3A_206 = tpu.vector_load %arg5[%get3A_205] {strides = array<i32>} : memref<16384xi32, #tpu.memory_space<vmem>>, vector<16xi32>,
      %gather3A_207 = tpu.vector_load_idx %arg6[%get3A_206] : memref<100000xf32, #tpu.memory_space<vmem>>[vector<16xi32>], vector<16xf32>,
      %mul3A_208 = arith.constant 16 : i32
      %mul3A_209 = arith.muli %scan3A_200, %mul3A_208 : i32
      %swap3A_210 = arith.index_cast %mul3A_209 : i32 to index
      %swap3A_211 = tpu.vector_load %arg8[%swap3A_210] {strides = array<i32>} : memref<4096xf32, #tpu.memory_space<vmem>>, vector<16xf32>,
      tpu.vector_store %arg8[%swap3A_210], %gather3A_207 {strides = array<i32>} : memref<4096xf32, #tpu.memory_space<vmem>>, vector<16xf32>,
      %scan3A_212 = arith.constant 3 : i32
      %scan3A_213 = arith.addi %scan3A_177, %scan3A_212 : i32
      %mul3A_214 = arith.constant 16 : i32
      %mul3A_215 = arith.muli %scan3A_213, %mul3A_214 : i32
      %add3A_216 = arith.constant 4096 : i32
      %add3A_217 = arith.addi %add3A_216, %mul3A_215 : i32
      %get3A_218 = arith.index_cast %add3A_217 : i32 to index
      %get3A_219 = tpu.vector_load %arg5[%get3A_218] {strides = array<i32>} : memref<16384xi32, #tpu.memory_space<vmem>>, vector<16xi32>,
      %gather3A_220 = tpu.vector_load_idx %arg6[%get3A_219] : memref<100000xf32, #tpu.memory_space<vmem>>[vector<16xi32>], vector<16xf32>,
      %mul3A_221 = arith.constant 16 : i32
      %mul3A_222 = arith.muli %scan3A_213, %mul3A_221 : i32
      %swap3A_223 = arith.index_cast %mul3A_222 : i32 to index
      %swap3A_224 = tpu.vector_load %arg8[%swap3A_223] {strides = array<i32>} : memref<4096xf32, #tpu.memory_space<vmem>>, vector<16xf32>,
      tpu.vector_store %arg8[%swap3A_223], %gather3A_220 {strides = array<i32>} : memref<4096xf32, #tpu.memory_space<vmem>>, vector<16xf32>,
      %scan3A_225 = arith.constant 4 : i32
      %scan3A_226 = arith.addi %scan3A_177, %scan3A_225 : i32
      %mul3A_227 = arith.constant 16 : i32
      %mul3A_228 = arith.muli %scan3A_226, %mul3A_227 : i32
      %add3A_229 = arith.constant 4096 : i32
      %add3A_230 = arith.addi %add3A_229, %mul3A_228 : i32
      %get3A_231 = arith.index_cast %add3A_230 : i32 to index
      %get3A_232 = tpu.vector_load %arg5[%get3A_231] {strides = array<i32>} : memref<16384xi32, #tpu.memory_space<vmem>>, vector<16xi32>,
      %gather3A_233 = tpu.vector_load_idx %arg6[%get3A_232] : memref<100000xf32, #tpu.memory_space<vmem>>[vector<16xi32>], vector<16xf32>,
      %mul3A_234 = arith.constant 16 : i32
      %mul3A_235 = arith.muli %scan3A_226, %mul3A_234 : i32
      %swap3A_236 = arith.index_cast %mul3A_235 : i32 to index
      %swap3A_237 = tpu.vector_load %arg8[%swap3A_236] {strides = array<i32>} : memref<4096xf32, #tpu.memory_space<vmem>>, vector<16xf32>,
      tpu.vector_store %arg8[%swap3A_236], %gather3A_233 {strides = array<i32>} : memref<4096xf32, #tpu.memory_space<vmem>>, vector<16xf32>,
      %scan3A_238 = arith.constant 5 : i32
      %scan3A_239 = arith.addi %scan3A_177, %scan3A_238 : i32
      %mul3A_240 = arith.constant 16 : i32
      %mul3A_241 = arith.muli %scan3A_239, %mul3A_240 : i32
      %add3A_242 = arith.constant 4096 : i32
      %add3A_243 = arith.addi %add3A_242, %mul3A_241 : i32
      %get3A_244 = arith.index_cast %add3A_243 : i32 to index
      %get3A_245 = tpu.vector_load %arg5[%get3A_244] {strides = array<i32>} : memref<16384xi32, #tpu.memory_space<vmem>>, vector<16xi32>,
      %gather3A_246 = tpu.vector_load_idx %arg6[%get3A_245] : memref<100000xf32, #tpu.memory_space<vmem>>[vector<16xi32>], vector<16xf32>,
      %mul3A_247 = arith.constant 16 : i32
      %mul3A_248 = arith.muli %scan3A_239, %mul3A_247 : i32
      %swap3A_249 = arith.index_cast %mul3A_248 : i32 to index
      %swap3A_250 = tpu.vector_load %arg8[%swap3A_249] {strides = array<i32>} : memref<4096xf32, #tpu.memory_space<vmem>>, vector<16xf32>,
      tpu.vector_store %arg8[%swap3A_249], %gather3A_246 {strides = array<i32>} : memref<4096xf32, #tpu.memory_space<vmem>>, vector<16xf32>,
      %scan3A_251 = arith.constant 6 : i32
      %scan3A_252 = arith.addi %scan3A_177, %scan3A_251 : i32
      %mul3A_253 = arith.constant 16 : i32
      %mul3A_254 = arith.muli %scan3A_252, %mul3A_253 : i32
      %add3A_255 = arith.constant 4096 : i32
      %add3A_256 = arith.addi %add3A_255, %mul3A_254 : i32
      %get3A_257 = arith.index_cast %add3A_256 : i32 to index
      %get3A_258 = tpu.vector_load %arg5[%get3A_257] {strides = array<i32>} : memref<16384xi32, #tpu.memory_space<vmem>>, vector<16xi32>,
      %gather3A_259 = tpu.vector_load_idx %arg6[%get3A_258] : memref<100000xf32, #tpu.memory_space<vmem>>[vector<16xi32>], vector<16xf32>,
      %mul3A_260 = arith.constant 16 : i32
      %mul3A_261 = arith.muli %scan3A_252, %mul3A_260 : i32
      %swap3A_262 = arith.index_cast %mul3A_261 : i32 to index
      %swap3A_263 = tpu.vector_load %arg8[%swap3A_262] {strides = array<i32>} : memref<4096xf32, #tpu.memory_space<vmem>>, vector<16xf32>,
      tpu.vector_store %arg8[%swap3A_262], %gather3A_259 {strides = array<i32>} : memref<4096xf32, #tpu.memory_space<vmem>>, vector<16xf32>,
      %scan3A_264 = arith.constant 7 : i32
      %scan3A_265 = arith.addi %scan3A_177, %scan3A_264 : i32
      %mul3A_266 = arith.constant 16 : i32
      %mul3A_267 = arith.muli %scan3A_265, %mul3A_266 : i32
      %add3A_268 = arith.constant 4096 : i32
      %add3A_269 = arith.addi %add3A_268, %mul3A_267 : i32
      %get3A_270 = arith.index_cast %add3A_269 : i32 to index
      %get3A_271 = tpu.vector_load %arg5[%get3A_270] {strides = array<i32>} : memref<16384xi32, #tpu.memory_space<vmem>>, vector<16xi32>,
      %gather3A_272 = tpu.vector_load_idx %arg6[%get3A_271] : memref<100000xf32, #tpu.memory_space<vmem>>[vector<16xi32>], vector<16xf32>,
      %mul3A_273 = arith.constant 16 : i32
      %mul3A_274 = arith.muli %scan3A_265, %mul3A_273 : i32
      %swap3A_275 = arith.index_cast %mul3A_274 : i32 to index
      %swap3A_276 = tpu.vector_load %arg8[%swap3A_275] {strides = array<i32>} : memref<4096xf32, #tpu.memory_space<vmem>>, vector<16xf32>,
      tpu.vector_store %arg8[%swap3A_275], %gather3A_272 {strides = array<i32>} : memref<4096xf32, #tpu.memory_space<vmem>>, vector<16xf32>,
    }
    %scan3A_33 = arith.constant 256 : i32
    %dma_start3A_34 = arith.constant 4096 : i32
    %dma_start3A_35 = tpu.memref_slice %arg4[%add3A_16, %dma_start3A_34] : memref<64x16384xf32, #tpu.memory_space<hbm>> -> memref<1x4096xf32, #tpu.memory_space<hbm>>
    %dma_start3A_36 = tpu.memref_squeeze %dma_start3A_35 : memref<1x4096xf32, #tpu.memory_space<hbm>> -> memref<4096xf32, #tpu.memory_space<hbm>>
    %dma_start3A_37 = arith.constant 4096 : i32
    %dma_start3A_38 = tpu.memref_slice %arg4[%add3A_16, %dma_start3A_37] : memref<64x16384xf32, #tpu.memory_space<hbm>> -> memref<1x4096xf32, #tpu.memory_space<hbm>>
    %dma_start3A_39 = tpu.memref_squeeze %dma_start3A_38 : memref<1x4096xf32, #tpu.memory_space<hbm>> -> memref<4096xf32, #tpu.memory_space<hbm>>
    tpu.enqueue_dma source(%arg8 : memref<4096xf32, #tpu.memory_space<vmem>>) target(%dma_start3A_39 : memref<4096xf32, #tpu.memory_space<hbm>>) target_semaphore(%arg11 : memref<!tpu.dma_semaphore, #tpu.memory_space<semaphore_mem>>)
    %dma_wait3A_40 = arith.constant 0 : i32
    %dma_wait3A_41 = tpu.memref_slice %arg4[%add3A_16, %dma_wait3A_40] : memref<64x16384xf32, #tpu.memory_space<hbm>> -> memref<1x4096xf32, #tpu.memory_space<hbm>>
    %dma_wait3A_42 = tpu.memref_squeeze %dma_wait3A_41 : memref<1x4096xf32, #tpu.memory_space<hbm>> -> memref<4096xf32, #tpu.memory_space<hbm>>
    %dma_wait3A_43 = arith.constant 0 : i32
    %dma_wait3A_44 = tpu.memref_slice %arg4[%add3A_16, %dma_wait3A_43] : memref<64x16384xf32, #tpu.memory_space<hbm>> -> memref<1x4096xf32, #tpu.memory_space<hbm>>
    %dma_wait3A_45 = tpu.memref_squeeze %dma_wait3A_44 : memref<1x4096xf32, #tpu.memory_space<hbm>> -> memref<4096xf32, #tpu.memory_space<hbm>>
    tpu.wait_dma2 semaphore(%arg10 : memref<!tpu.dma_semaphore, #tpu.memory_space<semaphore_mem>>) src(%arg7 : memref<4096xf32, #tpu.memory_space<vmem>>) dst(%dma_wait3A_45 : memref<4096xf32, #tpu.memory_space<hbm>>)
    %scan3A_46 = arith.constant 0 : i32
    %scan3A_47 = arith.constant 0 : i32
    %scan3A_48 = arith.constant 256 : i32
    %scan3A_49 = arith.addi %scan3A_47, %scan3A_48 : i32
    %scan3A_50 = arith.constant 8 : i32
    scf.for %scan3A_177 = %scan3A_47 to %scan3A_49 step %scan3A_50  : i32 {
      %mul3A_178 = arith.constant 16 : i32
      %mul3A_179 = arith.muli %scan3A_177, %mul3A_178 : i32
      %add3A_180 = arith.constant 8192 : i32
      %add3A_181 = arith.addi %add3A_180, %mul3A_179 : i32
      %get3A = arith.index_cast %add3A_181 : i32 to index
      %get3A_182 = tpu.vector_load %arg5[%get3A] {strides = array<i32>} : memref<16384xi32, #tpu.memory_space<vmem>>, vector<16xi32>,
      %gather3A = tpu.vector_load_idx %arg6[%get3A_182] : memref<100000xf32, #tpu.memory_space<vmem>>[vector<16xi32>], vector<16xf32>,
      %mul3A_183 = arith.constant 16 : i32
      %mul3A_184 = arith.muli %scan3A_177, %mul3A_183 : i32
      %swap3A = arith.index_cast %mul3A_184 : i32 to index
      %swap3A_185 = tpu.vector_load %arg7[%swap3A] {strides = array<i32>} : memref<4096xf32, #tpu.memory_space<vmem>>, vector<16xf32>,
      tpu.vector_store %arg7[%swap3A], %gather3A {strides = array<i32>} : memref<4096xf32, #tpu.memory_space<vmem>>, vector<16xf32>,
      %scan3A_186 = arith.constant 1 : i32
      %scan3A_187 = arith.addi %scan3A_177, %scan3A_186 : i32
      %mul3A_188 = arith.constant 16 : i32
      %mul3A_189 = arith.muli %scan3A_187, %mul3A_188 : i32
      %add3A_190 = arith.constant 8192 : i32
      %add3A_191 = arith.addi %add3A_190, %mul3A_189 : i32
      %get3A_192 = arith.index_cast %add3A_191 : i32 to index
      %get3A_193 = tpu.vector_load %arg5[%get3A_192] {strides = array<i32>} : memref<16384xi32, #tpu.memory_space<vmem>>, vector<16xi32>,
      %gather3A_194 = tpu.vector_load_idx %arg6[%get3A_193] : memref<100000xf32, #tpu.memory_space<vmem>>[vector<16xi32>], vector<16xf32>,
      %mul3A_195 = arith.constant 16 : i32
      %mul3A_196 = arith.muli %scan3A_187, %mul3A_195 : i32
      %swap3A_197 = arith.index_cast %mul3A_196 : i32 to index
      %swap3A_198 = tpu.vector_load %arg7[%swap3A_197] {strides = array<i32>} : memref<4096xf32, #tpu.memory_space<vmem>>, vector<16xf32>,
      tpu.vector_store %arg7[%swap3A_197], %gather3A_194 {strides = array<i32>} : memref<4096xf32, #tpu.memory_space<vmem>>, vector<16xf32>,
      %scan3A_199 = arith.constant 2 : i32
      %scan3A_200 = arith.addi %scan3A_177, %scan3A_199 : i32
      %mul3A_201 = arith.constant 16 : i32
      %mul3A_202 = arith.muli %scan3A_200, %mul3A_201 : i32
      %add3A_203 = arith.constant 8192 : i32
      %add3A_204 = arith.addi %add3A_203, %mul3A_202 : i32
      %get3A_205 = arith.index_cast %add3A_204 : i32 to index
      %get3A_206 = tpu.vector_load %arg5[%get3A_205] {strides = array<i32>} : memref<16384xi32, #tpu.memory_space<vmem>>, vector<16xi32>,
      %gather3A_207 = tpu.vector_load_idx %arg6[%get3A_206] : memref<100000xf32, #tpu.memory_space<vmem>>[vector<16xi32>], vector<16xf32>,
      %mul3A_208 = arith.constant 16 : i32
      %mul3A_209 = arith.muli %scan3A_200, %mul3A_208 : i32
      %swap3A_210 = arith.index_cast %mul3A_209 : i32 to index
      %swap3A_211 = tpu.vector_load %arg7[%swap3A_210] {strides = array<i32>} : memref<4096xf32, #tpu.memory_space<vmem>>, vector<16xf32>,
      tpu.vector_store %arg7[%swap3A_210], %gather3A_207 {strides = array<i32>} : memref<4096xf32, #tpu.memory_space<vmem>>, vector<16xf32>,
      %scan3A_212 = arith.constant 3 : i32
      %scan3A_213 = arith.addi %scan3A_177, %scan3A_212 : i32
      %mul3A_214 = arith.constant 16 : i32
      %mul3A_215 = arith.muli %scan3A_213, %mul3A_214 : i32
      %add3A_216 = arith.constant 8192 : i32
      %add3A_217 = arith.addi %add3A_216, %mul3A_215 : i32
      %get3A_218 = arith.index_cast %add3A_217 : i32 to index
      %get3A_219 = tpu.vector_load %arg5[%get3A_218] {strides = array<i32>} : memref<16384xi32, #tpu.memory_space<vmem>>, vector<16xi32>,
      %gather3A_220 = tpu.vector_load_idx %arg6[%get3A_219] : memref<100000xf32, #tpu.memory_space<vmem>>[vector<16xi32>], vector<16xf32>,
      %mul3A_221 = arith.constant 16 : i32
      %mul3A_222 = arith.muli %scan3A_213, %mul3A_221 : i32
      %swap3A_223 = arith.index_cast %mul3A_222 : i32 to index
      %swap3A_224 = tpu.vector_load %arg7[%swap3A_223] {strides = array<i32>} : memref<4096xf32, #tpu.memory_space<vmem>>, vector<16xf32>,
      tpu.vector_store %arg7[%swap3A_223], %gather3A_220 {strides = array<i32>} : memref<4096xf32, #tpu.memory_space<vmem>>, vector<16xf32>,
      %scan3A_225 = arith.constant 4 : i32
      %scan3A_226 = arith.addi %scan3A_177, %scan3A_225 : i32
      %mul3A_227 = arith.constant 16 : i32
      %mul3A_228 = arith.muli %scan3A_226, %mul3A_227 : i32
      %add3A_229 = arith.constant 8192 : i32
      %add3A_230 = arith.addi %add3A_229, %mul3A_228 : i32
      %get3A_231 = arith.index_cast %add3A_230 : i32 to index
      %get3A_232 = tpu.vector_load %arg5[%get3A_231] {strides = array<i32>} : memref<16384xi32, #tpu.memory_space<vmem>>, vector<16xi32>,
      %gather3A_233 = tpu.vector_load_idx %arg6[%get3A_232] : memref<100000xf32, #tpu.memory_space<vmem>>[vector<16xi32>], vector<16xf32>,
      %mul3A_234 = arith.constant 16 : i32
      %mul3A_235 = arith.muli %scan3A_226, %mul3A_234 : i32
      %swap3A_236 = arith.index_cast %mul3A_235 : i32 to index
      %swap3A_237 = tpu.vector_load %arg7[%swap3A_236] {strides = array<i32>} : memref<4096xf32, #tpu.memory_space<vmem>>, vector<16xf32>,
      tpu.vector_store %arg7[%swap3A_236], %gather3A_233 {strides = array<i32>} : memref<4096xf32, #tpu.memory_space<vmem>>, vector<16xf32>,
      %scan3A_238 = arith.constant 5 : i32
      %scan3A_239 = arith.addi %scan3A_177, %scan3A_238 : i32
      %mul3A_240 = arith.constant 16 : i32
      %mul3A_241 = arith.muli %scan3A_239, %mul3A_240 : i32
      %add3A_242 = arith.constant 8192 : i32
      %add3A_243 = arith.addi %add3A_242, %mul3A_241 : i32
      %get3A_244 = arith.index_cast %add3A_243 : i32 to index
      %get3A_245 = tpu.vector_load %arg5[%get3A_244] {strides = array<i32>} : memref<16384xi32, #tpu.memory_space<vmem>>, vector<16xi32>,
      %gather3A_246 = tpu.vector_load_idx %arg6[%get3A_245] : memref<100000xf32, #tpu.memory_space<vmem>>[vector<16xi32>], vector<16xf32>,
      %mul3A_247 = arith.constant 16 : i32
      %mul3A_248 = arith.muli %scan3A_239, %mul3A_247 : i32
      %swap3A_249 = arith.index_cast %mul3A_248 : i32 to index
      %swap3A_250 = tpu.vector_load %arg7[%swap3A_249] {strides = array<i32>} : memref<4096xf32, #tpu.memory_space<vmem>>, vector<16xf32>,
      tpu.vector_store %arg7[%swap3A_249], %gather3A_246 {strides = array<i32>} : memref<4096xf32, #tpu.memory_space<vmem>>, vector<16xf32>,
      %scan3A_251 = arith.constant 6 : i32
      %scan3A_252 = arith.addi %scan3A_177, %scan3A_251 : i32
      %mul3A_253 = arith.constant 16 : i32
      %mul3A_254 = arith.muli %scan3A_252, %mul3A_253 : i32
      %add3A_255 = arith.constant 8192 : i32
      %add3A_256 = arith.addi %add3A_255, %mul3A_254 : i32
      %get3A_257 = arith.index_cast %add3A_256 : i32 to index
      %get3A_258 = tpu.vector_load %arg5[%get3A_257] {strides = array<i32>} : memref<16384xi32, #tpu.memory_space<vmem>>, vector<16xi32>,
      %gather3A_259 = tpu.vector_load_idx %arg6[%get3A_258] : memref<100000xf32, #tpu.memory_space<vmem>>[vector<16xi32>], vector<16xf32>,
      %mul3A_260 = arith.constant 16 : i32
      %mul3A_261 = arith.muli %scan3A_252, %mul3A_260 : i32
      %swap3A_262 = arith.index_cast %mul3A_261 : i32 to index
      %swap3A_263 = tpu.vector_load %arg7[%swap3A_262] {strides = array<i32>} : memref<4096xf32, #tpu.memory_space<vmem>>, vector<16xf32>,
      tpu.vector_store %arg7[%swap3A_262], %gather3A_259 {strides = array<i32>} : memref<4096xf32, #tpu.memory_space<vmem>>, vector<16xf32>,
      %scan3A_264 = arith.constant 7 : i32
      %scan3A_265 = arith.addi %scan3A_177, %scan3A_264 : i32
      %mul3A_266 = arith.constant 16 : i32
      %mul3A_267 = arith.muli %scan3A_265, %mul3A_266 : i32
      %add3A_268 = arith.constant 8192 : i32
      %add3A_269 = arith.addi %add3A_268, %mul3A_267 : i32
      %get3A_270 = arith.index_cast %add3A_269 : i32 to index
      %get3A_271 = tpu.vector_load %arg5[%get3A_270] {strides = array<i32>} : memref<16384xi32, #tpu.memory_space<vmem>>, vector<16xi32>,
      %gather3A_272 = tpu.vector_load_idx %arg6[%get3A_271] : memref<100000xf32, #tpu.memory_space<vmem>>[vector<16xi32>], vector<16xf32>,
      %mul3A_273 = arith.constant 16 : i32
      %mul3A_274 = arith.muli %scan3A_265, %mul3A_273 : i32
      %swap3A_275 = arith.index_cast %mul3A_274 : i32 to index
      %swap3A_276 = tpu.vector_load %arg7[%swap3A_275] {strides = array<i32>} : memref<4096xf32, #tpu.memory_space<vmem>>, vector<16xf32>,
      tpu.vector_store %arg7[%swap3A_275], %gather3A_272 {strides = array<i32>} : memref<4096xf32, #tpu.memory_space<vmem>>, vector<16xf32>,
    }
    %scan3A_51 = arith.constant 256 : i32
    %dma_start3A_52 = arith.constant 8192 : i32
    %dma_start3A_53 = tpu.memref_slice %arg4[%add3A_16, %dma_start3A_52] : memref<64x16384xf32, #tpu.memory_space<hbm>> -> memref<1x4096xf32, #tpu.memory_space<hbm>>
    %dma_start3A_54 = tpu.memref_squeeze %dma_start3A_53 : memref<1x4096xf32, #tpu.memory_space<hbm>> -> memref<4096xf32, #tpu.memory_space<hbm>>
    %dma_start3A_55 = arith.constant 8192 : i32
    %dma_start3A_56 = tpu.memref_slice %arg4[%add3A_16, %dma_start3A_55] : memref<64x16384xf32, #tpu.memory_space<hbm>> -> memref<1x4096xf32, #tpu.memory_space<hbm>>
    %dma_start3A_57 = tpu.memref_squeeze %dma_start3A_56 : memref<1x4096xf32, #tpu.memory_space<hbm>> -> memref<4096xf32, #tpu.memory_space<hbm>>
    tpu.enqueue_dma source(%arg7 : memref<4096xf32, #tpu.memory_space<vmem>>) target(%dma_start3A_57 : memref<4096xf32, #tpu.memory_space<hbm>>) target_semaphore(%arg10 : memref<!tpu.dma_semaphore, #tpu.memory_space<semaphore_mem>>)
    %dma_wait3A_58 = arith.constant 0 : i32
    %dma_wait3A_59 = tpu.memref_slice %arg4[%add3A_16, %dma_wait3A_58] : memref<64x16384xf32, #tpu.memory_space<hbm>> -> memref<1x4096xf32, #tpu.memory_space<hbm>>
    %dma_wait3A_60 = tpu.memref_squeeze %dma_wait3A_59 : memref<1x4096xf32, #tpu.memory_space<hbm>> -> memref<4096xf32, #tpu.memory_space<hbm>>
    %dma_wait3A_61 = arith.constant 0 : i32
    %dma_wait3A_62 = tpu.memref_slice %arg4[%add3A_16, %dma_wait3A_61] : memref<64x16384xf32, #tpu.memory_space<hbm>> -> memref<1x4096xf32, #tpu.memory_space<hbm>>
    %dma_wait3A_63 = tpu.memref_squeeze %dma_wait3A_62 : memref<1x4096xf32, #tpu.memory_space<hbm>> -> memref<4096xf32, #tpu.memory_space<hbm>>
    tpu.wait_dma2 semaphore(%arg11 : memref<!tpu.dma_semaphore, #tpu.memory_space<semaphore_mem>>) src(%arg8 : memref<4096xf32, #tpu.memory_space<vmem>>) dst(%dma_wait3A_63 : memref<4096xf32, #tpu.memory_space<hbm>>)
    %scan3A_64 = arith.constant 0 : i32
    %scan3A_65 = arith.constant 0 : i32
    %scan3A_66 = arith.constant 256 : i32
    %scan3A_67 = arith.addi %scan3A_65, %scan3A_66 : i32
    %scan3A_68 = arith.constant 8 : i32
    scf.for %scan3A_177 = %scan3A_65 to %scan3A_67 step %scan3A_68  : i32 {
      %mul3A_178 = arith.constant 16 : i32
      %mul3A_179 = arith.muli %scan3A_177, %mul3A_178 : i32
      %add3A_180 = arith.constant 12288 : i32
      %add3A_181 = arith.addi %add3A_180, %mul3A_179 : i32
      %get3A = arith.index_cast %add3A_181 : i32 to index
      %get3A_182 = tpu.vector_load %arg5[%get3A] {strides = array<i32>} : memref<16384xi32, #tpu.memory_space<vmem>>, vector<16xi32>,
      %gather3A = tpu.vector_load_idx %arg6[%get3A_182] : memref<100000xf32, #tpu.memory_space<vmem>>[vector<16xi32>], vector<16xf32>,
      %mul3A_183 = arith.constant 16 : i32
      %mul3A_184 = arith.muli %scan3A_177, %mul3A_183 : i32
      %swap3A = arith.index_cast %mul3A_184 : i32 to index
      %swap3A_185 = tpu.vector_load %arg8[%swap3A] {strides = array<i32>} : memref<4096xf32, #tpu.memory_space<vmem>>, vector<16xf32>,
      tpu.vector_store %arg8[%swap3A], %gather3A {strides = array<i32>} : memref<4096xf32, #tpu.memory_space<vmem>>, vector<16xf32>,
      %scan3A_186 = arith.constant 1 : i32
      %scan3A_187 = arith.addi %scan3A_177, %scan3A_186 : i32
      %mul3A_188 = arith.constant 16 : i32
      %mul3A_189 = arith.muli %scan3A_187, %mul3A_188 : i32
      %add3A_190 = arith.constant 12288 : i32
      %add3A_191 = arith.addi %add3A_190, %mul3A_189 : i32
      %get3A_192 = arith.index_cast %add3A_191 : i32 to index
      %get3A_193 = tpu.vector_load %arg5[%get3A_192] {strides = array<i32>} : memref<16384xi32, #tpu.memory_space<vmem>>, vector<16xi32>,
      %gather3A_194 = tpu.vector_load_idx %arg6[%get3A_193] : memref<100000xf32, #tpu.memory_space<vmem>>[vector<16xi32>], vector<16xf32>,
      %mul3A_195 = arith.constant 16 : i32
      %mul3A_196 = arith.muli %scan3A_187, %mul3A_195 : i32
      %swap3A_197 = arith.index_cast %mul3A_196 : i32 to index
      %swap3A_198 = tpu.vector_load %arg8[%swap3A_197] {strides = array<i32>} : memref<4096xf32, #tpu.memory_space<vmem>>, vector<16xf32>,
      tpu.vector_store %arg8[%swap3A_197], %gather3A_194 {strides = array<i32>} : memref<4096xf32, #tpu.memory_space<vmem>>, vector<16xf32>,
      %scan3A_199 = arith.constant 2 : i32
      %scan3A_200 = arith.addi %scan3A_177, %scan3A_199 : i32
      %mul3A_201 = arith.constant 16 : i32
      %mul3A_202 = arith.muli %scan3A_200, %mul3A_201 : i32
      %add3A_203 = arith.constant 12288 : i32
      %add3A_204 = arith.addi %add3A_203, %mul3A_202 : i32
      %get3A_205 = arith.index_cast %add3A_204 : i32 to index
      %get3A_206 = tpu.vector_load %arg5[%get3A_205] {strides = array<i32>} : memref<16384xi32, #tpu.memory_space<vmem>>, vector<16xi32>,
      %gather3A_207 = tpu.vector_load_idx %arg6[%get3A_206] : memref<100000xf32, #tpu.memory_space<vmem>>[vector<16xi32>], vector<16xf32>,
      %mul3A_208 = arith.constant 16 : i32
      %mul3A_209 = arith.muli %scan3A_200, %mul3A_208 : i32
      %swap3A_210 = arith.index_cast %mul3A_209 : i32 to index
      %swap3A_211 = tpu.vector_load %arg8[%swap3A_210] {strides = array<i32>} : memref<4096xf32, #tpu.memory_space<vmem>>, vector<16xf32>,
      tpu.vector_store %arg8[%swap3A_210], %gather3A_207 {strides = array<i32>} : memref<4096xf32, #tpu.memory_space<vmem>>, vector<16xf32>,
      %scan3A_212 = arith.constant 3 : i32
      %scan3A_213 = arith.addi %scan3A_177, %scan3A_212 : i32
      %mul3A_214 = arith.constant 16 : i32
      %mul3A_215 = arith.muli %scan3A_213, %mul3A_214 : i32
      %add3A_216 = arith.constant 12288 : i32
      %add3A_217 = arith.addi %add3A_216, %mul3A_215 : i32
      %get3A_218 = arith.index_cast %add3A_217 : i32 to index
      %get3A_219 = tpu.vector_load %arg5[%get3A_218] {strides = array<i32>} : memref<16384xi32, #tpu.memory_space<vmem>>, vector<16xi32>,
      %gather3A_220 = tpu.vector_load_idx %arg6[%get3A_219] : memref<100000xf32, #tpu.memory_space<vmem>>[vector<16xi32>], vector<16xf32>,
      %mul3A_221 = arith.constant 16 : i32
      %mul3A_222 = arith.muli %scan3A_213, %mul3A_221 : i32
      %swap3A_223 = arith.index_cast %mul3A_222 : i32 to index
      %swap3A_224 = tpu.vector_load %arg8[%swap3A_223] {strides = array<i32>} : memref<4096xf32, #tpu.memory_space<vmem>>, vector<16xf32>,
      tpu.vector_store %arg8[%swap3A_223], %gather3A_220 {strides = array<i32>} : memref<4096xf32, #tpu.memory_space<vmem>>, vector<16xf32>,
      %scan3A_225 = arith.constant 4 : i32
      %scan3A_226 = arith.addi %scan3A_177, %scan3A_225 : i32
      %mul3A_227 = arith.constant 16 : i32
      %mul3A_228 = arith.muli %scan3A_226, %mul3A_227 : i32
      %add3A_229 = arith.constant 12288 : i32
      %add3A_230 = arith.addi %add3A_229, %mul3A_228 : i32
      %get3A_231 = arith.index_cast %add3A_230 : i32 to index
      %get3A_232 = tpu.vector_load %arg5[%get3A_231] {strides = array<i32>} : memref<16384xi32, #tpu.memory_space<vmem>>, vector<16xi32>,
      %gather3A_233 = tpu.vector_load_idx %arg6[%get3A_232] : memref<100000xf32, #tpu.memory_space<vmem>>[vector<16xi32>], vector<16xf32>,
      %mul3A_234 = arith.constant 16 : i32
      %mul3A_235 = arith.muli %scan3A_226, %mul3A_234 : i32
      %swap3A_236 = arith.index_cast %mul3A_235 : i32 to index
      %swap3A_237 = tpu.vector_load %arg8[%swap3A_236] {strides = array<i32>} : memref<4096xf32, #tpu.memory_space<vmem>>, vector<16xf32>,
      tpu.vector_store %arg8[%swap3A_236], %gather3A_233 {strides = array<i32>} : memref<4096xf32, #tpu.memory_space<vmem>>, vector<16xf32>,
      %scan3A_238 = arith.constant 5 : i32
      %scan3A_239 = arith.addi %scan3A_177, %scan3A_238 : i32
      %mul3A_240 = arith.constant 16 : i32
      %mul3A_241 = arith.muli %scan3A_239, %mul3A_240 : i32
      %add3A_242 = arith.constant 12288 : i32
      %add3A_243 = arith.addi %add3A_242, %mul3A_241 : i32
      %get3A_244 = arith.index_cast %add3A_243 : i32 to index
      %get3A_245 = tpu.vector_load %arg5[%get3A_244] {strides = array<i32>} : memref<16384xi32, #tpu.memory_space<vmem>>, vector<16xi32>,
      %gather3A_246 = tpu.vector_load_idx %arg6[%get3A_245] : memref<100000xf32, #tpu.memory_space<vmem>>[vector<16xi32>], vector<16xf32>,
      %mul3A_247 = arith.constant 16 : i32
      %mul3A_248 = arith.muli %scan3A_239, %mul3A_247 : i32
      %swap3A_249 = arith.index_cast %mul3A_248 : i32 to index
      %swap3A_250 = tpu.vector_load %arg8[%swap3A_249] {strides = array<i32>} : memref<4096xf32, #tpu.memory_space<vmem>>, vector<16xf32>,
      tpu.vector_store %arg8[%swap3A_249], %gather3A_246 {strides = array<i32>} : memref<4096xf32, #tpu.memory_space<vmem>>, vector<16xf32>,
      %scan3A_251 = arith.constant 6 : i32
      %scan3A_252 = arith.addi %scan3A_177, %scan3A_251 : i32
      %mul3A_253 = arith.constant 16 : i32
      %mul3A_254 = arith.muli %scan3A_252, %mul3A_253 : i32
      %add3A_255 = arith.constant 12288 : i32
      %add3A_256 = arith.addi %add3A_255, %mul3A_254 : i32
      %get3A_257 = arith.index_cast %add3A_256 : i32 to index
      %get3A_258 = tpu.vector_load %arg5[%get3A_257] {strides = array<i32>} : memref<16384xi32, #tpu.memory_space<vmem>>, vector<16xi32>,
      %gather3A_259 = tpu.vector_load_idx %arg6[%get3A_258] : memref<100000xf32, #tpu.memory_space<vmem>>[vector<16xi32>], vector<16xf32>,
      %mul3A_260 = arith.constant 16 : i32
      %mul3A_261 = arith.muli %scan3A_252, %mul3A_260 : i32
      %swap3A_262 = arith.index_cast %mul3A_261 : i32 to index
      %swap3A_263 = tpu.vector_load %arg8[%swap3A_262] {strides = array<i32>} : memref<4096xf32, #tpu.memory_space<vmem>>, vector<16xf32>,
      tpu.vector_store %arg8[%swap3A_262], %gather3A_259 {strides = array<i32>} : memref<4096xf32, #tpu.memory_space<vmem>>, vector<16xf32>,
      %scan3A_264 = arith.constant 7 : i32
      %scan3A_265 = arith.addi %scan3A_177, %scan3A_264 : i32
      %mul3A_266 = arith.constant 16 : i32
      %mul3A_267 = arith.muli %scan3A_265, %mul3A_266 : i32
      %add3A_268 = arith.constant 12288 : i32
      %add3A_269 = arith.addi %add3A_268, %mul3A_267 : i32
      %get3A_270 = arith.index_cast %add3A_269 : i32 to index
      %get3A_271 = tpu.vector_load %arg5[%get3A_270] {strides = array<i32>} : memref<16384xi32, #tpu.memory_space<vmem>>, vector<16xi32>,
      %gather3A_272 = tpu.vector_load_idx %arg6[%get3A_271] : memref<100000xf32, #tpu.memory_space<vmem>>[vector<16xi32>], vector<16xf32>,
      %mul3A_273 = arith.constant 16 : i32
      %mul3A_274 = arith.muli %scan3A_265, %mul3A_273 : i32
      %swap3A_275 = arith.index_cast %mul3A_274 : i32 to index
      %swap3A_276 = tpu.vector_load %arg8[%swap3A_275] {strides = array<i32>} : memref<4096xf32, #tpu.memory_space<vmem>>, vector<16xf32>,
      tpu.vector_store %arg8[%swap3A_275], %gather3A_272 {strides = array<i32>} : memref<4096xf32, #tpu.memory_space<vmem>>, vector<16xf32>,
    }
    %scan3A_69 = arith.constant 256 : i32
    %dma_start3A_70 = arith.constant 12288 : i32
    %dma_start3A_71 = tpu.memref_slice %arg4[%add3A_16, %dma_start3A_70] : memref<64x16384xf32, #tpu.memory_space<hbm>> -> memref<1x4096xf32, #tpu.memory_space<hbm>>
    %dma_start3A_72 = tpu.memref_squeeze %dma_start3A_71 : memref<1x4096xf32, #tpu.memory_space<hbm>> -> memref<4096xf32, #tpu.memory_space<hbm>>
    %dma_start3A_73 = arith.constant 12288 : i32
    %dma_start3A_74 = tpu.memref_slice %arg4[%add3A_16, %dma_start3A_73] : memref<64x16384xf32, #tpu.memory_space<hbm>> -> memref<1x4096xf32, #tpu.memory_space<hbm>>
    %dma_start3A_75 = tpu.memref_squeeze %dma_start3A_74 : memref<1x4096xf32, #tpu.memory_space<hbm>> -> memref<4096xf32, #tpu.memory_space<hbm>>
    tpu.enqueue_dma source(%arg8 : memref<4096xf32, #tpu.memory_space<vmem>>) target(%dma_start3A_75 : memref<4096xf32, #tpu.memory_space<hbm>>) target_semaphore(%arg11 : memref<!tpu.dma_semaphore, #tpu.memory_space<semaphore_mem>>)
    %add3A_76 = arith.constant 1 : i32
    %add3A_77 = arith.addi %add3A_16, %add3A_76 : i32
    "tpu.region"() ({
      %run_scoped3A = tpu.sem_alloc : memref<!tpu.dma_semaphore, #tpu.memory_space<semaphore_mem>>
      %dma_start3A_177 = arith.constant 0 : i32
      %dma_start3A_178 = tpu.memref_slice %arg3[%add3A_77, %dma_start3A_177] : memref<64x100000xf32, #tpu.memory_space<hbm>> -> memref<1x100000xf32, #tpu.memory_space<hbm>>
      %dma_start3A_179 = tpu.memref_squeeze %dma_start3A_178 : memref<1x100000xf32, #tpu.memory_space<hbm>> -> memref<100000xf32, #tpu.memory_space<hbm>>
      %dma_start3A_180 = arith.constant 0 : i32
      %dma_start3A_181 = tpu.memref_slice %arg3[%add3A_77, %dma_start3A_180] : memref<64x100000xf32, #tpu.memory_space<hbm>> -> memref<1x100000xf32, #tpu.memory_space<hbm>>
      %dma_start3A_182 = tpu.memref_squeeze %dma_start3A_181 : memref<1x100000xf32, #tpu.memory_space<hbm>> -> memref<100000xf32, #tpu.memory_space<hbm>>
      tpu.enqueue_dma source(%dma_start3A_182 : memref<100000xf32, #tpu.memory_space<hbm>>) target(%arg6 : memref<100000xf32, #tpu.memory_space<vmem>>) target_semaphore(%run_scoped3A : memref<!tpu.dma_semaphore, #tpu.memory_space<semaphore_mem>>)
      %dma_wait3A_183 = arith.constant 0 : i32
      %dma_wait3A_184 = tpu.memref_slice %arg3[%add3A_77, %dma_wait3A_183] : memref<64x100000xf32, #tpu.memory_space<hbm>> -> memref<1x100000xf32, #tpu.memory_space<hbm>>
      %dma_wait3A_185 = tpu.memref_squeeze %dma_wait3A_184 : memref<1x100000xf32, #tpu.memory_space<hbm>> -> memref<100000xf32, #tpu.memory_space<hbm>>
      %dma_wait3A_186 = arith.constant 0 : i32
      %dma_wait3A_187 = tpu.memref_slice %arg3[%add3A_77, %dma_wait3A_186] : memref<64x100000xf32, #tpu.memory_space<hbm>> -> memref<1x100000xf32, #tpu.memory_space<hbm>>
      %dma_wait3A_188 = tpu.memref_squeeze %dma_wait3A_187 : memref<1x100000xf32, #tpu.memory_space<hbm>> -> memref<100000xf32, #tpu.memory_space<hbm>>
      tpu.wait_dma2 semaphore(%run_scoped3A : memref<!tpu.dma_semaphore, #tpu.memory_space<semaphore_mem>>) src(%dma_wait3A_188 : memref<100000xf32, #tpu.memory_space<hbm>>) dst(%arg6 : memref<100000xf32, #tpu.memory_space<vmem>>)
      tpu.yield
    }) : () -> ()
    %mul3A_78 = arith.constant 2 : i32
    %mul3A_79 = arith.muli %add3A, %mul3A_78 : i32
    %add3A_80 = arith.constant 1 : i32
    %add3A_81 = arith.addi %mul3A_79, %add3A_80 : i32
    %dma_wait3A_82 = arith.constant 0 : i32
    %dma_wait3A_83 = tpu.memref_slice %arg4[%add3A_81, %dma_wait3A_82] : memref<64x16384xf32, #tpu.memory_space<hbm>> -> memref<1x4096xf32, #tpu.memory_space<hbm>>
    %dma_wait3A_84 = tpu.memref_squeeze %dma_wait3A_83 : memref<1x4096xf32, #tpu.memory_space<hbm>> -> memref<4096xf32, #tpu.memory_space<hbm>>
    %dma_wait3A_85 = arith.constant 0 : i32
    %dma_wait3A_86 = tpu.memref_slice %arg4[%add3A_81, %dma_wait3A_85] : memref<64x16384xf32, #tpu.memory_space<hbm>> -> memref<1x4096xf32, #tpu.memory_space<hbm>>
    %dma_wait3A_87 = tpu.memref_squeeze %dma_wait3A_86 : memref<1x4096xf32, #tpu.memory_space<hbm>> -> memref<4096xf32, #tpu.memory_space<hbm>>
    tpu.wait_dma2 semaphore(%arg10 : memref<!tpu.dma_semaphore, #tpu.memory_space<semaphore_mem>>) src(%arg7 : memref<4096xf32, #tpu.memory_space<vmem>>) dst(%dma_wait3A_87 : memref<4096xf32, #tpu.memory_space<hbm>>)
    %scan3A_88 = arith.constant 0 : i32
    %scan3A_89 = arith.constant 0 : i32
    %scan3A_90 = arith.constant 256 : i32
    %scan3A_91 = arith.addi %scan3A_89, %scan3A_90 : i32
    %scan3A_92 = arith.constant 8 : i32
    scf.for %scan3A_177 = %scan3A_89 to %scan3A_91 step %scan3A_92  : i32 {
      %mul3A_178 = arith.constant 16 : i32
      %mul3A_179 = arith.muli %scan3A_177, %mul3A_178 : i32
      %add3A_180 = arith.constant 0 : i32
      %add3A_181 = arith.addi %add3A_180, %mul3A_179 : i32
      %get3A = arith.index_cast %add3A_181 : i32 to index
      %get3A_182 = tpu.vector_load %arg5[%get3A] {strides = array<i32>} : memref<16384xi32, #tpu.memory_space<vmem>>, vector<16xi32>,
      %gather3A = tpu.vector_load_idx %arg6[%get3A_182] : memref<100000xf32, #tpu.memory_space<vmem>>[vector<16xi32>], vector<16xf32>,
      %mul3A_183 = arith.constant 16 : i32
      %mul3A_184 = arith.muli %scan3A_177, %mul3A_183 : i32
      %swap3A = arith.index_cast %mul3A_184 : i32 to index
      %swap3A_185 = tpu.vector_load %arg7[%swap3A] {strides = array<i32>} : memref<4096xf32, #tpu.memory_space<vmem>>, vector<16xf32>,
      tpu.vector_store %arg7[%swap3A], %gather3A {strides = array<i32>} : memref<4096xf32, #tpu.memory_space<vmem>>, vector<16xf32>,
      %scan3A_186 = arith.constant 1 : i32
      %scan3A_187 = arith.addi %scan3A_177, %scan3A_186 : i32
      %mul3A_188 = arith.constant 16 : i32
      %mul3A_189 = arith.muli %scan3A_187, %mul3A_188 : i32
      %add3A_190 = arith.constant 0 : i32
      %add3A_191 = arith.addi %add3A_190, %mul3A_189 : i32
      %get3A_192 = arith.index_cast %add3A_191 : i32 to index
      %get3A_193 = tpu.vector_load %arg5[%get3A_192] {strides = array<i32>} : memref<16384xi32, #tpu.memory_space<vmem>>, vector<16xi32>,
      %gather3A_194 = tpu.vector_load_idx %arg6[%get3A_193] : memref<100000xf32, #tpu.memory_space<vmem>>[vector<16xi32>], vector<16xf32>,
      %mul3A_195 = arith.constant 16 : i32
      %mul3A_196 = arith.muli %scan3A_187, %mul3A_195 : i32
      %swap3A_197 = arith.index_cast %mul3A_196 : i32 to index
      %swap3A_198 = tpu.vector_load %arg7[%swap3A_197] {strides = array<i32>} : memref<4096xf32, #tpu.memory_space<vmem>>, vector<16xf32>,
      tpu.vector_store %arg7[%swap3A_197], %gather3A_194 {strides = array<i32>} : memref<4096xf32, #tpu.memory_space<vmem>>, vector<16xf32>,
      %scan3A_199 = arith.constant 2 : i32
      %scan3A_200 = arith.addi %scan3A_177, %scan3A_199 : i32
      %mul3A_201 = arith.constant 16 : i32
      %mul3A_202 = arith.muli %scan3A_200, %mul3A_201 : i32
      %add3A_203 = arith.constant 0 : i32
      %add3A_204 = arith.addi %add3A_203, %mul3A_202 : i32
      %get3A_205 = arith.index_cast %add3A_204 : i32 to index
      %get3A_206 = tpu.vector_load %arg5[%get3A_205] {strides = array<i32>} : memref<16384xi32, #tpu.memory_space<vmem>>, vector<16xi32>,
      %gather3A_207 = tpu.vector_load_idx %arg6[%get3A_206] : memref<100000xf32, #tpu.memory_space<vmem>>[vector<16xi32>], vector<16xf32>,
      %mul3A_208 = arith.constant 16 : i32
      %mul3A_209 = arith.muli %scan3A_200, %mul3A_208 : i32
      %swap3A_210 = arith.index_cast %mul3A_209 : i32 to index
      %swap3A_211 = tpu.vector_load %arg7[%swap3A_210] {strides = array<i32>} : memref<4096xf32, #tpu.memory_space<vmem>>, vector<16xf32>,
      tpu.vector_store %arg7[%swap3A_210], %gather3A_207 {strides = array<i32>} : memref<4096xf32, #tpu.memory_space<vmem>>, vector<16xf32>,
      %scan3A_212 = arith.constant 3 : i32
      %scan3A_213 = arith.addi %scan3A_177, %scan3A_212 : i32
      %mul3A_214 = arith.constant 16 : i32
      %mul3A_215 = arith.muli %scan3A_213, %mul3A_214 : i32
      %add3A_216 = arith.constant 0 : i32
      %add3A_217 = arith.addi %add3A_216, %mul3A_215 : i32
      %get3A_218 = arith.index_cast %add3A_217 : i32 to index
      %get3A_219 = tpu.vector_load %arg5[%get3A_218] {strides = array<i32>} : memref<16384xi32, #tpu.memory_space<vmem>>, vector<16xi32>,
      %gather3A_220 = tpu.vector_load_idx %arg6[%get3A_219] : memref<100000xf32, #tpu.memory_space<vmem>>[vector<16xi32>], vector<16xf32>,
      %mul3A_221 = arith.constant 16 : i32
      %mul3A_222 = arith.muli %scan3A_213, %mul3A_221 : i32
      %swap3A_223 = arith.index_cast %mul3A_222 : i32 to index
      %swap3A_224 = tpu.vector_load %arg7[%swap3A_223] {strides = array<i32>} : memref<4096xf32, #tpu.memory_space<vmem>>, vector<16xf32>,
      tpu.vector_store %arg7[%swap3A_223], %gather3A_220 {strides = array<i32>} : memref<4096xf32, #tpu.memory_space<vmem>>, vector<16xf32>,
      %scan3A_225 = arith.constant 4 : i32
      %scan3A_226 = arith.addi %scan3A_177, %scan3A_225 : i32
      %mul3A_227 = arith.constant 16 : i32
      %mul3A_228 = arith.muli %scan3A_226, %mul3A_227 : i32
      %add3A_229 = arith.constant 0 : i32
      %add3A_230 = arith.addi %add3A_229, %mul3A_228 : i32
      %get3A_231 = arith.index_cast %add3A_230 : i32 to index
      %get3A_232 = tpu.vector_load %arg5[%get3A_231] {strides = array<i32>} : memref<16384xi32, #tpu.memory_space<vmem>>, vector<16xi32>,
      %gather3A_233 = tpu.vector_load_idx %arg6[%get3A_232] : memref<100000xf32, #tpu.memory_space<vmem>>[vector<16xi32>], vector<16xf32>,
      %mul3A_234 = arith.constant 16 : i32
      %mul3A_235 = arith.muli %scan3A_226, %mul3A_234 : i32
      %swap3A_236 = arith.index_cast %mul3A_235 : i32 to index
      %swap3A_237 = tpu.vector_load %arg7[%swap3A_236] {strides = array<i32>} : memref<4096xf32, #tpu.memory_space<vmem>>, vector<16xf32>,
      tpu.vector_store %arg7[%swap3A_236], %gather3A_233 {strides = array<i32>} : memref<4096xf32, #tpu.memory_space<vmem>>, vector<16xf32>,
      %scan3A_238 = arith.constant 5 : i32
      %scan3A_239 = arith.addi %scan3A_177, %scan3A_238 : i32
      %mul3A_240 = arith.constant 16 : i32
      %mul3A_241 = arith.muli %scan3A_239, %mul3A_240 : i32
      %add3A_242 = arith.constant 0 : i32
      %add3A_243 = arith.addi %add3A_242, %mul3A_241 : i32
      %get3A_244 = arith.index_cast %add3A_243 : i32 to index
      %get3A_245 = tpu.vector_load %arg5[%get3A_244] {strides = array<i32>} : memref<16384xi32, #tpu.memory_space<vmem>>, vector<16xi32>,
      %gather3A_246 = tpu.vector_load_idx %arg6[%get3A_245] : memref<100000xf32, #tpu.memory_space<vmem>>[vector<16xi32>], vector<16xf32>,
      %mul3A_247 = arith.constant 16 : i32
      %mul3A_248 = arith.muli %scan3A_239, %mul3A_247 : i32
      %swap3A_249 = arith.index_cast %mul3A_248 : i32 to index
      %swap3A_250 = tpu.vector_load %arg7[%swap3A_249] {strides = array<i32>} : memref<4096xf32, #tpu.memory_space<vmem>>, vector<16xf32>,
      tpu.vector_store %arg7[%swap3A_249], %gather3A_246 {strides = array<i32>} : memref<4096xf32, #tpu.memory_space<vmem>>, vector<16xf32>,
      %scan3A_251 = arith.constant 6 : i32
      %scan3A_252 = arith.addi %scan3A_177, %scan3A_251 : i32
      %mul3A_253 = arith.constant 16 : i32
      %mul3A_254 = arith.muli %scan3A_252, %mul3A_253 : i32
      %add3A_255 = arith.constant 0 : i32
      %add3A_256 = arith.addi %add3A_255, %mul3A_254 : i32
      %get3A_257 = arith.index_cast %add3A_256 : i32 to index
      %get3A_258 = tpu.vector_load %arg5[%get3A_257] {strides = array<i32>} : memref<16384xi32, #tpu.memory_space<vmem>>, vector<16xi32>,
      %gather3A_259 = tpu.vector_load_idx %arg6[%get3A_258] : memref<100000xf32, #tpu.memory_space<vmem>>[vector<16xi32>], vector<16xf32>,
      %mul3A_260 = arith.constant 16 : i32
      %mul3A_261 = arith.muli %scan3A_252, %mul3A_260 : i32
      %swap3A_262 = arith.index_cast %mul3A_261 : i32 to index
      %swap3A_263 = tpu.vector_load %arg7[%swap3A_262] {strides = array<i32>} : memref<4096xf32, #tpu.memory_space<vmem>>, vector<16xf32>,
      tpu.vector_store %arg7[%swap3A_262], %gather3A_259 {strides = array<i32>} : memref<4096xf32, #tpu.memory_space<vmem>>, vector<16xf32>,
      %scan3A_264 = arith.constant 7 : i32
      %scan3A_265 = arith.addi %scan3A_177, %scan3A_264 : i32
      %mul3A_266 = arith.constant 16 : i32
      %mul3A_267 = arith.muli %scan3A_265, %mul3A_266 : i32
      %add3A_268 = arith.constant 0 : i32
      %add3A_269 = arith.addi %add3A_268, %mul3A_267 : i32
      %get3A_270 = arith.index_cast %add3A_269 : i32 to index
      %get3A_271 = tpu.vector_load %arg5[%get3A_270] {strides = array<i32>} : memref<16384xi32, #tpu.memory_space<vmem>>, vector<16xi32>,
      %gather3A_272 = tpu.vector_load_idx %arg6[%get3A_271] : memref<100000xf32, #tpu.memory_space<vmem>>[vector<16xi32>], vector<16xf32>,
      %mul3A_273 = arith.constant 16 : i32
      %mul3A_274 = arith.muli %scan3A_265, %mul3A_273 : i32
      %swap3A_275 = arith.index_cast %mul3A_274 : i32 to index
      %swap3A_276 = tpu.vector_load %arg7[%swap3A_275] {strides = array<i32>} : memref<4096xf32, #tpu.memory_space<vmem>>, vector<16xf32>,
      tpu.vector_store %arg7[%swap3A_275], %gather3A_272 {strides = array<i32>} : memref<4096xf32, #tpu.memory_space<vmem>>, vector<16xf32>,
    }
    %scan3A_93 = arith.constant 256 : i32
    %dma_start3A_94 = arith.constant 0 : i32
    %dma_start3A_95 = tpu.memref_slice %arg4[%add3A_81, %dma_start3A_94] : memref<64x16384xf32, #tpu.memory_space<hbm>> -> memref<1x4096xf32, #tpu.memory_space<hbm>>
    %dma_start3A_96 = tpu.memref_squeeze %dma_start3A_95 : memref<1x4096xf32, #tpu.memory_space<hbm>> -> memref<4096xf32, #tpu.memory_space<hbm>>
    %dma_start3A_97 = arith.constant 0 : i32
    %dma_start3A_98 = tpu.memref_slice %arg4[%add3A_81, %dma_start3A_97] : memref<64x16384xf32, #tpu.memory_space<hbm>> -> memref<1x4096xf32, #tpu.memory_space<hbm>>
    %dma_start3A_99 = tpu.memref_squeeze %dma_start3A_98 : memref<1x4096xf32, #tpu.memory_space<hbm>> -> memref<4096xf32, #tpu.memory_space<hbm>>
    tpu.enqueue_dma source(%arg7 : memref<4096xf32, #tpu.memory_space<vmem>>) target(%dma_start3A_99 : memref<4096xf32, #tpu.memory_space<hbm>>) target_semaphore(%arg10 : memref<!tpu.dma_semaphore, #tpu.memory_space<semaphore_mem>>)
    %dma_wait3A_100 = arith.constant 0 : i32
    %dma_wait3A_101 = tpu.memref_slice %arg4[%add3A_81, %dma_wait3A_100] : memref<64x16384xf32, #tpu.memory_space<hbm>> -> memref<1x4096xf32, #tpu.memory_space<hbm>>
    %dma_wait3A_102 = tpu.memref_squeeze %dma_wait3A_101 : memref<1x4096xf32, #tpu.memory_space<hbm>> -> memref<4096xf32, #tpu.memory_space<hbm>>
    %dma_wait3A_103 = arith.constant 0 : i32
    %dma_wait3A_104 = tpu.memref_slice %arg4[%add3A_81, %dma_wait3A_103] : memref<64x16384xf32, #tpu.memory_space<hbm>> -> memref<1x4096xf32, #tpu.memory_space<hbm>>
    %dma_wait3A_105 = tpu.memref_squeeze %dma_wait3A_104 : memref<1x4096xf32, #tpu.memory_space<hbm>> -> memref<4096xf32, #tpu.memory_space<hbm>>
    tpu.wait_dma2 semaphore(%arg11 : memref<!tpu.dma_semaphore, #tpu.memory_space<semaphore_mem>>) src(%arg8 : memref<4096xf32, #tpu.memory_space<vmem>>) dst(%dma_wait3A_105 : memref<4096xf32, #tpu.memory_space<hbm>>)
    %scan3A_106 = arith.constant 0 : i32
    %scan3A_107 = arith.constant 0 : i32
    %scan3A_108 = arith.constant 256 : i32
    %scan3A_109 = arith.addi %scan3A_107, %scan3A_108 : i32
    %scan3A_110 = arith.constant 8 : i32
    scf.for %scan3A_177 = %scan3A_107 to %scan3A_109 step %scan3A_110  : i32 {
      %mul3A_178 = arith.constant 16 : i32
      %mul3A_179 = arith.muli %scan3A_177, %mul3A_178 : i32
      %add3A_180 = arith.constant 4096 : i32
      %add3A_181 = arith.addi %add3A_180, %mul3A_179 : i32
      %get3A = arith.index_cast %add3A_181 : i32 to index
      %get3A_182 = tpu.vector_load %arg5[%get3A] {strides = array<i32>} : memref<16384xi32, #tpu.memory_space<vmem>>, vector<16xi32>,
      %gather3A = tpu.vector_load_idx %arg6[%get3A_182] : memref<100000xf32, #tpu.memory_space<vmem>>[vector<16xi32>], vector<16xf32>,
      %mul3A_183 = arith.constant 16 : i32
      %mul3A_184 = arith.muli %scan3A_177, %mul3A_183 : i32
      %swap3A = arith.index_cast %mul3A_184 : i32 to index
      %swap3A_185 = tpu.vector_load %arg8[%swap3A] {strides = array<i32>} : memref<4096xf32, #tpu.memory_space<vmem>>, vector<16xf32>,
      tpu.vector_store %arg8[%swap3A], %gather3A {strides = array<i32>} : memref<4096xf32, #tpu.memory_space<vmem>>, vector<16xf32>,
      %scan3A_186 = arith.constant 1 : i32
      %scan3A_187 = arith.addi %scan3A_177, %scan3A_186 : i32
      %mul3A_188 = arith.constant 16 : i32
      %mul3A_189 = arith.muli %scan3A_187, %mul3A_188 : i32
      %add3A_190 = arith.constant 4096 : i32
      %add3A_191 = arith.addi %add3A_190, %mul3A_189 : i32
      %get3A_192 = arith.index_cast %add3A_191 : i32 to index
      %get3A_193 = tpu.vector_load %arg5[%get3A_192] {strides = array<i32>} : memref<16384xi32, #tpu.memory_space<vmem>>, vector<16xi32>,
      %gather3A_194 = tpu.vector_load_idx %arg6[%get3A_193] : memref<100000xf32, #tpu.memory_space<vmem>>[vector<16xi32>], vector<16xf32>,
      %mul3A_195 = arith.constant 16 : i32
      %mul3A_196 = arith.muli %scan3A_187, %mul3A_195 : i32
      %swap3A_197 = arith.index_cast %mul3A_196 : i32 to index
      %swap3A_198 = tpu.vector_load %arg8[%swap3A_197] {strides = array<i32>} : memref<4096xf32, #tpu.memory_space<vmem>>, vector<16xf32>,
      tpu.vector_store %arg8[%swap3A_197], %gather3A_194 {strides = array<i32>} : memref<4096xf32, #tpu.memory_space<vmem>>, vector<16xf32>,
      %scan3A_199 = arith.constant 2 : i32
      %scan3A_200 = arith.addi %scan3A_177, %scan3A_199 : i32
      %mul3A_201 = arith.constant 16 : i32
      %mul3A_202 = arith.muli %scan3A_200, %mul3A_201 : i32
      %add3A_203 = arith.constant 4096 : i32
      %add3A_204 = arith.addi %add3A_203, %mul3A_202 : i32
      %get3A_205 = arith.index_cast %add3A_204 : i32 to index
      %get3A_206 = tpu.vector_load %arg5[%get3A_205] {strides = array<i32>} : memref<16384xi32, #tpu.memory_space<vmem>>, vector<16xi32>,
      %gather3A_207 = tpu.vector_load_idx %arg6[%get3A_206] : memref<100000xf32, #tpu.memory_space<vmem>>[vector<16xi32>], vector<16xf32>,
      %mul3A_208 = arith.constant 16 : i32
      %mul3A_209 = arith.muli %scan3A_200, %mul3A_208 : i32
      %swap3A_210 = arith.index_cast %mul3A_209 : i32 to index
      %swap3A_211 = tpu.vector_load %arg8[%swap3A_210] {strides = array<i32>} : memref<4096xf32, #tpu.memory_space<vmem>>, vector<16xf32>,
      tpu.vector_store %arg8[%swap3A_210], %gather3A_207 {strides = array<i32>} : memref<4096xf32, #tpu.memory_space<vmem>>, vector<16xf32>,
      %scan3A_212 = arith.constant 3 : i32
      %scan3A_213 = arith.addi %scan3A_177, %scan3A_212 : i32
      %mul3A_214 = arith.constant 16 : i32
      %mul3A_215 = arith.muli %scan3A_213, %mul3A_214 : i32
      %add3A_216 = arith.constant 4096 : i32
      %add3A_217 = arith.addi %add3A_216, %mul3A_215 : i32
      %get3A_218 = arith.index_cast %add3A_217 : i32 to index
      %get3A_219 = tpu.vector_load %arg5[%get3A_218] {strides = array<i32>} : memref<16384xi32, #tpu.memory_space<vmem>>, vector<16xi32>,
      %gather3A_220 = tpu.vector_load_idx %arg6[%get3A_219] : memref<100000xf32, #tpu.memory_space<vmem>>[vector<16xi32>], vector<16xf32>,
      %mul3A_221 = arith.constant 16 : i32
      %mul3A_222 = arith.muli %scan3A_213, %mul3A_221 : i32
      %swap3A_223 = arith.index_cast %mul3A_222 : i32 to index
      %swap3A_224 = tpu.vector_load %arg8[%swap3A_223] {strides = array<i32>} : memref<4096xf32, #tpu.memory_space<vmem>>, vector<16xf32>,
      tpu.vector_store %arg8[%swap3A_223], %gather3A_220 {strides = array<i32>} : memref<4096xf32, #tpu.memory_space<vmem>>, vector<16xf32>,
      %scan3A_225 = arith.constant 4 : i32
      %scan3A_226 = arith.addi %scan3A_177, %scan3A_225 : i32
      %mul3A_227 = arith.constant 16 : i32
      %mul3A_228 = arith.muli %scan3A_226, %mul3A_227 : i32
      %add3A_229 = arith.constant 4096 : i32
      %add3A_230 = arith.addi %add3A_229, %mul3A_228 : i32
      %get3A_231 = arith.index_cast %add3A_230 : i32 to index
      %get3A_232 = tpu.vector_load %arg5[%get3A_231] {strides = array<i32>} : memref<16384xi32, #tpu.memory_space<vmem>>, vector<16xi32>,
      %gather3A_233 = tpu.vector_load_idx %arg6[%get3A_232] : memref<100000xf32, #tpu.memory_space<vmem>>[vector<16xi32>], vector<16xf32>,
      %mul3A_234 = arith.constant 16 : i32
      %mul3A_235 = arith.muli %scan3A_226, %mul3A_234 : i32
      %swap3A_236 = arith.index_cast %mul3A_235 : i32 to index
      %swap3A_237 = tpu.vector_load %arg8[%swap3A_236] {strides = array<i32>} : memref<4096xf32, #tpu.memory_space<vmem>>, vector<16xf32>,
      tpu.vector_store %arg8[%swap3A_236], %gather3A_233 {strides = array<i32>} : memref<4096xf32, #tpu.memory_space<vmem>>, vector<16xf32>,
      %scan3A_238 = arith.constant 5 : i32
      %scan3A_239 = arith.addi %scan3A_177, %scan3A_238 : i32
      %mul3A_240 = arith.constant 16 : i32
      %mul3A_241 = arith.muli %scan3A_239, %mul3A_240 : i32
      %add3A_242 = arith.constant 4096 : i32
      %add3A_243 = arith.addi %add3A_242, %mul3A_241 : i32
      %get3A_244 = arith.index_cast %add3A_243 : i32 to index
      %get3A_245 = tpu.vector_load %arg5[%get3A_244] {strides = array<i32>} : memref<16384xi32, #tpu.memory_space<vmem>>, vector<16xi32>,
      %gather3A_246 = tpu.vector_load_idx %arg6[%get3A_245] : memref<100000xf32, #tpu.memory_space<vmem>>[vector<16xi32>], vector<16xf32>,
      %mul3A_247 = arith.constant 16 : i32
      %mul3A_248 = arith.muli %scan3A_239, %mul3A_247 : i32
      %swap3A_249 = arith.index_cast %mul3A_248 : i32 to index
      %swap3A_250 = tpu.vector_load %arg8[%swap3A_249] {strides = array<i32>} : memref<4096xf32, #tpu.memory_space<vmem>>, vector<16xf32>,
      tpu.vector_store %arg8[%swap3A_249], %gather3A_246 {strides = array<i32>} : memref<4096xf32, #tpu.memory_space<vmem>>, vector<16xf32>,
      %scan3A_251 = arith.constant 6 : i32
      %scan3A_252 = arith.addi %scan3A_177, %scan3A_251 : i32
      %mul3A_253 = arith.constant 16 : i32
      %mul3A_254 = arith.muli %scan3A_252, %mul3A_253 : i32
      %add3A_255 = arith.constant 4096 : i32
      %add3A_256 = arith.addi %add3A_255, %mul3A_254 : i32
      %get3A_257 = arith.index_cast %add3A_256 : i32 to index
      %get3A_258 = tpu.vector_load %arg5[%get3A_257] {strides = array<i32>} : memref<16384xi32, #tpu.memory_space<vmem>>, vector<16xi32>,
      %gather3A_259 = tpu.vector_load_idx %arg6[%get3A_258] : memref<100000xf32, #tpu.memory_space<vmem>>[vector<16xi32>], vector<16xf32>,
      %mul3A_260 = arith.constant 16 : i32
      %mul3A_261 = arith.muli %scan3A_252, %mul3A_260 : i32
      %swap3A_262 = arith.index_cast %mul3A_261 : i32 to index
      %swap3A_263 = tpu.vector_load %arg8[%swap3A_262] {strides = array<i32>} : memref<4096xf32, #tpu.memory_space<vmem>>, vector<16xf32>,
      tpu.vector_store %arg8[%swap3A_262], %gather3A_259 {strides = array<i32>} : memref<4096xf32, #tpu.memory_space<vmem>>, vector<16xf32>,
      %scan3A_264 = arith.constant 7 : i32
      %scan3A_265 = arith.addi %scan3A_177, %scan3A_264 : i32
      %mul3A_266 = arith.constant 16 : i32
      %mul3A_267 = arith.muli %scan3A_265, %mul3A_266 : i32
      %add3A_268 = arith.constant 4096 : i32
      %add3A_269 = arith.addi %add3A_268, %mul3A_267 : i32
      %get3A_270 = arith.index_cast %add3A_269 : i32 to index
      %get3A_271 = tpu.vector_load %arg5[%get3A_270] {strides = array<i32>} : memref<16384xi32, #tpu.memory_space<vmem>>, vector<16xi32>,
      %gather3A_272 = tpu.vector_load_idx %arg6[%get3A_271] : memref<100000xf32, #tpu.memory_space<vmem>>[vector<16xi32>], vector<16xf32>,
      %mul3A_273 = arith.constant 16 : i32
      %mul3A_274 = arith.muli %scan3A_265, %mul3A_273 : i32
      %swap3A_275 = arith.index_cast %mul3A_274 : i32 to index
      %swap3A_276 = tpu.vector_load %arg8[%swap3A_275] {strides = array<i32>} : memref<4096xf32, #tpu.memory_space<vmem>>, vector<16xf32>,
      tpu.vector_store %arg8[%swap3A_275], %gather3A_272 {strides = array<i32>} : memref<4096xf32, #tpu.memory_space<vmem>>, vector<16xf32>,
    }
    %scan3A_111 = arith.constant 256 : i32
    %dma_start3A_112 = arith.constant 4096 : i32
    %dma_start3A_113 = tpu.memref_slice %arg4[%add3A_81, %dma_start3A_112] : memref<64x16384xf32, #tpu.memory_space<hbm>> -> memref<1x4096xf32, #tpu.memory_space<hbm>>
    %dma_start3A_114 = tpu.memref_squeeze %dma_start3A_113 : memref<1x4096xf32, #tpu.memory_space<hbm>> -> memref<4096xf32, #tpu.memory_space<hbm>>
    %dma_start3A_115 = arith.constant 4096 : i32
    %dma_start3A_116 = tpu.memref_slice %arg4[%add3A_81, %dma_start3A_115] : memref<64x16384xf32, #tpu.memory_space<hbm>> -> memref<1x4096xf32, #tpu.memory_space<hbm>>
    %dma_start3A_117 = tpu.memref_squeeze %dma_start3A_116 : memref<1x4096xf32, #tpu.memory_space<hbm>> -> memref<4096xf32, #tpu.memory_space<hbm>>
    tpu.enqueue_dma source(%arg8 : memref<4096xf32, #tpu.memory_space<vmem>>) target(%dma_start3A_117 : memref<4096xf32, #tpu.memory_space<hbm>>) target_semaphore(%arg11 : memref<!tpu.dma_semaphore, #tpu.memory_space<semaphore_mem>>)
    %dma_wait3A_118 = arith.constant 0 : i32
    %dma_wait3A_119 = tpu.memref_slice %arg4[%add3A_81, %dma_wait3A_118] : memref<64x16384xf32, #tpu.memory_space<hbm>> -> memref<1x4096xf32, #tpu.memory_space<hbm>>
    %dma_wait3A_120 = tpu.memref_squeeze %dma_wait3A_119 : memref<1x4096xf32, #tpu.memory_space<hbm>> -> memref<4096xf32, #tpu.memory_space<hbm>>
    %dma_wait3A_121 = arith.constant 0 : i32
    %dma_wait3A_122 = tpu.memref_slice %arg4[%add3A_81, %dma_wait3A_121] : memref<64x16384xf32, #tpu.memory_space<hbm>> -> memref<1x4096xf32, #tpu.memory_space<hbm>>
    %dma_wait3A_123 = tpu.memref_squeeze %dma_wait3A_122 : memref<1x4096xf32, #tpu.memory_space<hbm>> -> memref<4096xf32, #tpu.memory_space<hbm>>
    tpu.wait_dma2 semaphore(%arg10 : memref<!tpu.dma_semaphore, #tpu.memory_space<semaphore_mem>>) src(%arg7 : memref<4096xf32, #tpu.memory_space<vmem>>) dst(%dma_wait3A_123 : memref<4096xf32, #tpu.memory_space<hbm>>)
    %scan3A_124 = arith.constant 0 : i32
    %scan3A_125 = arith.constant 0 : i32
    %scan3A_126 = arith.constant 256 : i32
    %scan3A_127 = arith.addi %scan3A_125, %scan3A_126 : i32
    %scan3A_128 = arith.constant 8 : i32
    scf.for %scan3A_177 = %scan3A_125 to %scan3A_127 step %scan3A_128  : i32 {
      %mul3A_178 = arith.constant 16 : i32
      %mul3A_179 = arith.muli %scan3A_177, %mul3A_178 : i32
      %add3A_180 = arith.constant 8192 : i32
      %add3A_181 = arith.addi %add3A_180, %mul3A_179 : i32
      %get3A = arith.index_cast %add3A_181 : i32 to index
      %get3A_182 = tpu.vector_load %arg5[%get3A] {strides = array<i32>} : memref<16384xi32, #tpu.memory_space<vmem>>, vector<16xi32>,
      %gather3A = tpu.vector_load_idx %arg6[%get3A_182] : memref<100000xf32, #tpu.memory_space<vmem>>[vector<16xi32>], vector<16xf32>,
      %mul3A_183 = arith.constant 16 : i32
      %mul3A_184 = arith.muli %scan3A_177, %mul3A_183 : i32
      %swap3A = arith.index_cast %mul3A_184 : i32 to index
      %swap3A_185 = tpu.vector_load %arg7[%swap3A] {strides = array<i32>} : memref<4096xf32, #tpu.memory_space<vmem>>, vector<16xf32>,
      tpu.vector_store %arg7[%swap3A], %gather3A {strides = array<i32>} : memref<4096xf32, #tpu.memory_space<vmem>>, vector<16xf32>,
      %scan3A_186 = arith.constant 1 : i32
      %scan3A_187 = arith.addi %scan3A_177, %scan3A_186 : i32
      %mul3A_188 = arith.constant 16 : i32
      %mul3A_189 = arith.muli %scan3A_187, %mul3A_188 : i32
      %add3A_190 = arith.constant 8192 : i32
      %add3A_191 = arith.addi %add3A_190, %mul3A_189 : i32
      %get3A_192 = arith.index_cast %add3A_191 : i32 to index
      %get3A_193 = tpu.vector_load %arg5[%get3A_192] {strides = array<i32>} : memref<16384xi32, #tpu.memory_space<vmem>>, vector<16xi32>,
      %gather3A_194 = tpu.vector_load_idx %arg6[%get3A_193] : memref<100000xf32, #tpu.memory_space<vmem>>[vector<16xi32>], vector<16xf32>,
      %mul3A_195 = arith.constant 16 : i32
      %mul3A_196 = arith.muli %scan3A_187, %mul3A_195 : i32
      %swap3A_197 = arith.index_cast %mul3A_196 : i32 to index
      %swap3A_198 = tpu.vector_load %arg7[%swap3A_197] {strides = array<i32>} : memref<4096xf32, #tpu.memory_space<vmem>>, vector<16xf32>,
      tpu.vector_store %arg7[%swap3A_197], %gather3A_194 {strides = array<i32>} : memref<4096xf32, #tpu.memory_space<vmem>>, vector<16xf32>,
      %scan3A_199 = arith.constant 2 : i32
      %scan3A_200 = arith.addi %scan3A_177, %scan3A_199 : i32
      %mul3A_201 = arith.constant 16 : i32
      %mul3A_202 = arith.muli %scan3A_200, %mul3A_201 : i32
      %add3A_203 = arith.constant 8192 : i32
      %add3A_204 = arith.addi %add3A_203, %mul3A_202 : i32
      %get3A_205 = arith.index_cast %add3A_204 : i32 to index
      %get3A_206 = tpu.vector_load %arg5[%get3A_205] {strides = array<i32>} : memref<16384xi32, #tpu.memory_space<vmem>>, vector<16xi32>,
      %gather3A_207 = tpu.vector_load_idx %arg6[%get3A_206] : memref<100000xf32, #tpu.memory_space<vmem>>[vector<16xi32>], vector<16xf32>,
      %mul3A_208 = arith.constant 16 : i32
      %mul3A_209 = arith.muli %scan3A_200, %mul3A_208 : i32
      %swap3A_210 = arith.index_cast %mul3A_209 : i32 to index
      %swap3A_211 = tpu.vector_load %arg7[%swap3A_210] {strides = array<i32>} : memref<4096xf32, #tpu.memory_space<vmem>>, vector<16xf32>,
      tpu.vector_store %arg7[%swap3A_210], %gather3A_207 {strides = array<i32>} : memref<4096xf32, #tpu.memory_space<vmem>>, vector<16xf32>,
      %scan3A_212 = arith.constant 3 : i32
      %scan3A_213 = arith.addi %scan3A_177, %scan3A_212 : i32
      %mul3A_214 = arith.constant 16 : i32
      %mul3A_215 = arith.muli %scan3A_213, %mul3A_214 : i32
      %add3A_216 = arith.constant 8192 : i32
      %add3A_217 = arith.addi %add3A_216, %mul3A_215 : i32
      %get3A_218 = arith.index_cast %add3A_217 : i32 to index
      %get3A_219 = tpu.vector_load %arg5[%get3A_218] {strides = array<i32>} : memref<16384xi32, #tpu.memory_space<vmem>>, vector<16xi32>,
      %gather3A_220 = tpu.vector_load_idx %arg6[%get3A_219] : memref<100000xf32, #tpu.memory_space<vmem>>[vector<16xi32>], vector<16xf32>,
      %mul3A_221 = arith.constant 16 : i32
      %mul3A_222 = arith.muli %scan3A_213, %mul3A_221 : i32
      %swap3A_223 = arith.index_cast %mul3A_222 : i32 to index
      %swap3A_224 = tpu.vector_load %arg7[%swap3A_223] {strides = array<i32>} : memref<4096xf32, #tpu.memory_space<vmem>>, vector<16xf32>,
      tpu.vector_store %arg7[%swap3A_223], %gather3A_220 {strides = array<i32>} : memref<4096xf32, #tpu.memory_space<vmem>>, vector<16xf32>,
      %scan3A_225 = arith.constant 4 : i32
      %scan3A_226 = arith.addi %scan3A_177, %scan3A_225 : i32
      %mul3A_227 = arith.constant 16 : i32
      %mul3A_228 = arith.muli %scan3A_226, %mul3A_227 : i32
      %add3A_229 = arith.constant 8192 : i32
      %add3A_230 = arith.addi %add3A_229, %mul3A_228 : i32
      %get3A_231 = arith.index_cast %add3A_230 : i32 to index
      %get3A_232 = tpu.vector_load %arg5[%get3A_231] {strides = array<i32>} : memref<16384xi32, #tpu.memory_space<vmem>>, vector<16xi32>,
      %gather3A_233 = tpu.vector_load_idx %arg6[%get3A_232] : memref<100000xf32, #tpu.memory_space<vmem>>[vector<16xi32>], vector<16xf32>,
      %mul3A_234 = arith.constant 16 : i32
      %mul3A_235 = arith.muli %scan3A_226, %mul3A_234 : i32
      %swap3A_236 = arith.index_cast %mul3A_235 : i32 to index
      %swap3A_237 = tpu.vector_load %arg7[%swap3A_236] {strides = array<i32>} : memref<4096xf32, #tpu.memory_space<vmem>>, vector<16xf32>,
      tpu.vector_store %arg7[%swap3A_236], %gather3A_233 {strides = array<i32>} : memref<4096xf32, #tpu.memory_space<vmem>>, vector<16xf32>,
      %scan3A_238 = arith.constant 5 : i32
      %scan3A_239 = arith.addi %scan3A_177, %scan3A_238 : i32
      %mul3A_240 = arith.constant 16 : i32
      %mul3A_241 = arith.muli %scan3A_239, %mul3A_240 : i32
      %add3A_242 = arith.constant 8192 : i32
      %add3A_243 = arith.addi %add3A_242, %mul3A_241 : i32
      %get3A_244 = arith.index_cast %add3A_243 : i32 to index
      %get3A_245 = tpu.vector_load %arg5[%get3A_244] {strides = array<i32>} : memref<16384xi32, #tpu.memory_space<vmem>>, vector<16xi32>,
      %gather3A_246 = tpu.vector_load_idx %arg6[%get3A_245] : memref<100000xf32, #tpu.memory_space<vmem>>[vector<16xi32>], vector<16xf32>,
      %mul3A_247 = arith.constant 16 : i32
      %mul3A_248 = arith.muli %scan3A_239, %mul3A_247 : i32
      %swap3A_249 = arith.index_cast %mul3A_248 : i32 to index
      %swap3A_250 = tpu.vector_load %arg7[%swap3A_249] {strides = array<i32>} : memref<4096xf32, #tpu.memory_space<vmem>>, vector<16xf32>,
      tpu.vector_store %arg7[%swap3A_249], %gather3A_246 {strides = array<i32>} : memref<4096xf32, #tpu.memory_space<vmem>>, vector<16xf32>,
      %scan3A_251 = arith.constant 6 : i32
      %scan3A_252 = arith.addi %scan3A_177, %scan3A_251 : i32
      %mul3A_253 = arith.constant 16 : i32
      %mul3A_254 = arith.muli %scan3A_252, %mul3A_253 : i32
      %add3A_255 = arith.constant 8192 : i32
      %add3A_256 = arith.addi %add3A_255, %mul3A_254 : i32
      %get3A_257 = arith.index_cast %add3A_256 : i32 to index
      %get3A_258 = tpu.vector_load %arg5[%get3A_257] {strides = array<i32>} : memref<16384xi32, #tpu.memory_space<vmem>>, vector<16xi32>,
      %gather3A_259 = tpu.vector_load_idx %arg6[%get3A_258] : memref<100000xf32, #tpu.memory_space<vmem>>[vector<16xi32>], vector<16xf32>,
      %mul3A_260 = arith.constant 16 : i32
      %mul3A_261 = arith.muli %scan3A_252, %mul3A_260 : i32
      %swap3A_262 = arith.index_cast %mul3A_261 : i32 to index
      %swap3A_263 = tpu.vector_load %arg7[%swap3A_262] {strides = array<i32>} : memref<4096xf32, #tpu.memory_space<vmem>>, vector<16xf32>,
      tpu.vector_store %arg7[%swap3A_262], %gather3A_259 {strides = array<i32>} : memref<4096xf32, #tpu.memory_space<vmem>>, vector<16xf32>,
      %scan3A_264 = arith.constant 7 : i32
      %scan3A_265 = arith.addi %scan3A_177, %scan3A_264 : i32
      %mul3A_266 = arith.constant 16 : i32
      %mul3A_267 = arith.muli %scan3A_265, %mul3A_266 : i32
      %add3A_268 = arith.constant 8192 : i32
      %add3A_269 = arith.addi %add3A_268, %mul3A_267 : i32
      %get3A_270 = arith.index_cast %add3A_269 : i32 to index
      %get3A_271 = tpu.vector_load %arg5[%get3A_270] {strides = array<i32>} : memref<16384xi32, #tpu.memory_space<vmem>>, vector<16xi32>,
      %gather3A_272 = tpu.vector_load_idx %arg6[%get3A_271] : memref<100000xf32, #tpu.memory_space<vmem>>[vector<16xi32>], vector<16xf32>,
      %mul3A_273 = arith.constant 16 : i32
      %mul3A_274 = arith.muli %scan3A_265, %mul3A_273 : i32
      %swap3A_275 = arith.index_cast %mul3A_274 : i32 to index
      %swap3A_276 = tpu.vector_load %arg7[%swap3A_275] {strides = array<i32>} : memref<4096xf32, #tpu.memory_space<vmem>>, vector<16xf32>,
      tpu.vector_store %arg7[%swap3A_275], %gather3A_272 {strides = array<i32>} : memref<4096xf32, #tpu.memory_space<vmem>>, vector<16xf32>,
    }
    %scan3A_129 = arith.constant 256 : i32
    %dma_start3A_130 = arith.constant 8192 : i32
    %dma_start3A_131 = tpu.memref_slice %arg4[%add3A_81, %dma_start3A_130] : memref<64x16384xf32, #tpu.memory_space<hbm>> -> memref<1x4096xf32, #tpu.memory_space<hbm>>
    %dma_start3A_132 = tpu.memref_squeeze %dma_start3A_131 : memref<1x4096xf32, #tpu.memory_space<hbm>> -> memref<4096xf32, #tpu.memory_space<hbm>>
    %dma_start3A_133 = arith.constant 8192 : i32
    %dma_start3A_134 = tpu.memref_slice %arg4[%add3A_81, %dma_start3A_133] : memref<64x16384xf32, #tpu.memory_space<hbm>> -> memref<1x4096xf32, #tpu.memory_space<hbm>>
    %dma_start3A_135 = tpu.memref_squeeze %dma_start3A_134 : memref<1x4096xf32, #tpu.memory_space<hbm>> -> memref<4096xf32, #tpu.memory_space<hbm>>
    tpu.enqueue_dma source(%arg7 : memref<4096xf32, #tpu.memory_space<vmem>>) target(%dma_start3A_135 : memref<4096xf32, #tpu.memory_space<hbm>>) target_semaphore(%arg10 : memref<!tpu.dma_semaphore, #tpu.memory_space<semaphore_mem>>)
    %dma_wait3A_136 = arith.constant 0 : i32
    %dma_wait3A_137 = tpu.memref_slice %arg4[%add3A_81, %dma_wait3A_136] : memref<64x16384xf32, #tpu.memory_space<hbm>> -> memref<1x4096xf32, #tpu.memory_space<hbm>>
    %dma_wait3A_138 = tpu.memref_squeeze %dma_wait3A_137 : memref<1x4096xf32, #tpu.memory_space<hbm>> -> memref<4096xf32, #tpu.memory_space<hbm>>
    %dma_wait3A_139 = arith.constant 0 : i32
    %dma_wait3A_140 = tpu.memref_slice %arg4[%add3A_81, %dma_wait3A_139] : memref<64x16384xf32, #tpu.memory_space<hbm>> -> memref<1x4096xf32, #tpu.memory_space<hbm>>
    %dma_wait3A_141 = tpu.memref_squeeze %dma_wait3A_140 : memref<1x4096xf32, #tpu.memory_space<hbm>> -> memref<4096xf32, #tpu.memory_space<hbm>>
    tpu.wait_dma2 semaphore(%arg11 : memref<!tpu.dma_semaphore, #tpu.memory_space<semaphore_mem>>) src(%arg8 : memref<4096xf32, #tpu.memory_space<vmem>>) dst(%dma_wait3A_141 : memref<4096xf32, #tpu.memory_space<hbm>>)
    %scan3A_142 = arith.constant 0 : i32
    %scan3A_143 = arith.constant 0 : i32
    %scan3A_144 = arith.constant 256 : i32
    %scan3A_145 = arith.addi %scan3A_143, %scan3A_144 : i32
    %scan3A_146 = arith.constant 8 : i32
    scf.for %scan3A_177 = %scan3A_143 to %scan3A_145 step %scan3A_146  : i32 {
      %mul3A_178 = arith.constant 16 : i32
      %mul3A_179 = arith.muli %scan3A_177, %mul3A_178 : i32
      %add3A_180 = arith.constant 12288 : i32
      %add3A_181 = arith.addi %add3A_180, %mul3A_179 : i32
      %get3A = arith.index_cast %add3A_181 : i32 to index
      %get3A_182 = tpu.vector_load %arg5[%get3A] {strides = array<i32>} : memref<16384xi32, #tpu.memory_space<vmem>>, vector<16xi32>,
      %gather3A = tpu.vector_load_idx %arg6[%get3A_182] : memref<100000xf32, #tpu.memory_space<vmem>>[vector<16xi32>], vector<16xf32>,
      %mul3A_183 = arith.constant 16 : i32
      %mul3A_184 = arith.muli %scan3A_177, %mul3A_183 : i32
      %swap3A = arith.index_cast %mul3A_184 : i32 to index
      %swap3A_185 = tpu.vector_load %arg8[%swap3A] {strides = array<i32>} : memref<4096xf32, #tpu.memory_space<vmem>>, vector<16xf32>,
      tpu.vector_store %arg8[%swap3A], %gather3A {strides = array<i32>} : memref<4096xf32, #tpu.memory_space<vmem>>, vector<16xf32>,
      %scan3A_186 = arith.constant 1 : i32
      %scan3A_187 = arith.addi %scan3A_177, %scan3A_186 : i32
      %mul3A_188 = arith.constant 16 : i32
      %mul3A_189 = arith.muli %scan3A_187, %mul3A_188 : i32
      %add3A_190 = arith.constant 12288 : i32
      %add3A_191 = arith.addi %add3A_190, %mul3A_189 : i32
      %get3A_192 = arith.index_cast %add3A_191 : i32 to index
      %get3A_193 = tpu.vector_load %arg5[%get3A_192] {strides = array<i32>} : memref<16384xi32, #tpu.memory_space<vmem>>, vector<16xi32>,
      %gather3A_194 = tpu.vector_load_idx %arg6[%get3A_193] : memref<100000xf32, #tpu.memory_space<vmem>>[vector<16xi32>], vector<16xf32>,
      %mul3A_195 = arith.constant 16 : i32
      %mul3A_196 = arith.muli %scan3A_187, %mul3A_195 : i32
      %swap3A_197 = arith.index_cast %mul3A_196 : i32 to index
      %swap3A_198 = tpu.vector_load %arg8[%swap3A_197] {strides = array<i32>} : memref<4096xf32, #tpu.memory_space<vmem>>, vector<16xf32>,
      tpu.vector_store %arg8[%swap3A_197], %gather3A_194 {strides = array<i32>} : memref<4096xf32, #tpu.memory_space<vmem>>, vector<16xf32>,
      %scan3A_199 = arith.constant 2 : i32
      %scan3A_200 = arith.addi %scan3A_177, %scan3A_199 : i32
      %mul3A_201 = arith.constant 16 : i32
      %mul3A_202 = arith.muli %scan3A_200, %mul3A_201 : i32
      %add3A_203 = arith.constant 12288 : i32
      %add3A_204 = arith.addi %add3A_203, %mul3A_202 : i32
      %get3A_205 = arith.index_cast %add3A_204 : i32 to index
      %get3A_206 = tpu.vector_load %arg5[%get3A_205] {strides = array<i32>} : memref<16384xi32, #tpu.memory_space<vmem>>, vector<16xi32>,
      %gather3A_207 = tpu.vector_load_idx %arg6[%get3A_206] : memref<100000xf32, #tpu.memory_space<vmem>>[vector<16xi32>], vector<16xf32>,
      %mul3A_208 = arith.constant 16 : i32
      %mul3A_209 = arith.muli %scan3A_200, %mul3A_208 : i32
      %swap3A_210 = arith.index_cast %mul3A_209 : i32 to index
      %swap3A_211 = tpu.vector_load %arg8[%swap3A_210] {strides = array<i32>} : memref<4096xf32, #tpu.memory_space<vmem>>, vector<16xf32>,
      tpu.vector_store %arg8[%swap3A_210], %gather3A_207 {strides = array<i32>} : memref<4096xf32, #tpu.memory_space<vmem>>, vector<16xf32>,
      %scan3A_212 = arith.constant 3 : i32
      %scan3A_213 = arith.addi %scan3A_177, %scan3A_212 : i32
      %mul3A_214 = arith.constant 16 : i32
      %mul3A_215 = arith.muli %scan3A_213, %mul3A_214 : i32
      %add3A_216 = arith.constant 12288 : i32
      %add3A_217 = arith.addi %add3A_216, %mul3A_215 : i32
      %get3A_218 = arith.index_cast %add3A_217 : i32 to index
      %get3A_219 = tpu.vector_load %arg5[%get3A_218] {strides = array<i32>} : memref<16384xi32, #tpu.memory_space<vmem>>, vector<16xi32>,
      %gather3A_220 = tpu.vector_load_idx %arg6[%get3A_219] : memref<100000xf32, #tpu.memory_space<vmem>>[vector<16xi32>], vector<16xf32>,
      %mul3A_221 = arith.constant 16 : i32
      %mul3A_222 = arith.muli %scan3A_213, %mul3A_221 : i32
      %swap3A_223 = arith.index_cast %mul3A_222 : i32 to index
      %swap3A_224 = tpu.vector_load %arg8[%swap3A_223] {strides = array<i32>} : memref<4096xf32, #tpu.memory_space<vmem>>, vector<16xf32>,
      tpu.vector_store %arg8[%swap3A_223], %gather3A_220 {strides = array<i32>} : memref<4096xf32, #tpu.memory_space<vmem>>, vector<16xf32>,
      %scan3A_225 = arith.constant 4 : i32
      %scan3A_226 = arith.addi %scan3A_177, %scan3A_225 : i32
      %mul3A_227 = arith.constant 16 : i32
      %mul3A_228 = arith.muli %scan3A_226, %mul3A_227 : i32
      %add3A_229 = arith.constant 12288 : i32
      %add3A_230 = arith.addi %add3A_229, %mul3A_228 : i32
      %get3A_231 = arith.index_cast %add3A_230 : i32 to index
      %get3A_232 = tpu.vector_load %arg5[%get3A_231] {strides = array<i32>} : memref<16384xi32, #tpu.memory_space<vmem>>, vector<16xi32>,
      %gather3A_233 = tpu.vector_load_idx %arg6[%get3A_232] : memref<100000xf32, #tpu.memory_space<vmem>>[vector<16xi32>], vector<16xf32>,
      %mul3A_234 = arith.constant 16 : i32
      %mul3A_235 = arith.muli %scan3A_226, %mul3A_234 : i32
      %swap3A_236 = arith.index_cast %mul3A_235 : i32 to index
      %swap3A_237 = tpu.vector_load %arg8[%swap3A_236] {strides = array<i32>} : memref<4096xf32, #tpu.memory_space<vmem>>, vector<16xf32>,
      tpu.vector_store %arg8[%swap3A_236], %gather3A_233 {strides = array<i32>} : memref<4096xf32, #tpu.memory_space<vmem>>, vector<16xf32>,
      %scan3A_238 = arith.constant 5 : i32
      %scan3A_239 = arith.addi %scan3A_177, %scan3A_238 : i32
      %mul3A_240 = arith.constant 16 : i32
      %mul3A_241 = arith.muli %scan3A_239, %mul3A_240 : i32
      %add3A_242 = arith.constant 12288 : i32
      %add3A_243 = arith.addi %add3A_242, %mul3A_241 : i32
      %get3A_244 = arith.index_cast %add3A_243 : i32 to index
      %get3A_245 = tpu.vector_load %arg5[%get3A_244] {strides = array<i32>} : memref<16384xi32, #tpu.memory_space<vmem>>, vector<16xi32>,
      %gather3A_246 = tpu.vector_load_idx %arg6[%get3A_245] : memref<100000xf32, #tpu.memory_space<vmem>>[vector<16xi32>], vector<16xf32>,
      %mul3A_247 = arith.constant 16 : i32
      %mul3A_248 = arith.muli %scan3A_239, %mul3A_247 : i32
      %swap3A_249 = arith.index_cast %mul3A_248 : i32 to index
      %swap3A_250 = tpu.vector_load %arg8[%swap3A_249] {strides = array<i32>} : memref<4096xf32, #tpu.memory_space<vmem>>, vector<16xf32>,
      tpu.vector_store %arg8[%swap3A_249], %gather3A_246 {strides = array<i32>} : memref<4096xf32, #tpu.memory_space<vmem>>, vector<16xf32>,
      %scan3A_251 = arith.constant 6 : i32
      %scan3A_252 = arith.addi %scan3A_177, %scan3A_251 : i32
      %mul3A_253 = arith.constant 16 : i32
      %mul3A_254 = arith.muli %scan3A_252, %mul3A_253 : i32
      %add3A_255 = arith.constant 12288 : i32
      %add3A_256 = arith.addi %add3A_255, %mul3A_254 : i32
      %get3A_257 = arith.index_cast %add3A_256 : i32 to index
      %get3A_258 = tpu.vector_load %arg5[%get3A_257] {strides = array<i32>} : memref<16384xi32, #tpu.memory_space<vmem>>, vector<16xi32>,
      %gather3A_259 = tpu.vector_load_idx %arg6[%get3A_258] : memref<100000xf32, #tpu.memory_space<vmem>>[vector<16xi32>], vector<16xf32>,
      %mul3A_260 = arith.constant 16 : i32
      %mul3A_261 = arith.muli %scan3A_252, %mul3A_260 : i32
      %swap3A_262 = arith.index_cast %mul3A_261 : i32 to index
      %swap3A_263 = tpu.vector_load %arg8[%swap3A_262] {strides = array<i32>} : memref<4096xf32, #tpu.memory_space<vmem>>, vector<16xf32>,
      tpu.vector_store %arg8[%swap3A_262], %gather3A_259 {strides = array<i32>} : memref<4096xf32, #tpu.memory_space<vmem>>, vector<16xf32>,
      %scan3A_264 = arith.constant 7 : i32
      %scan3A_265 = arith.addi %scan3A_177, %scan3A_264 : i32
      %mul3A_266 = arith.constant 16 : i32
      %mul3A_267 = arith.muli %scan3A_265, %mul3A_266 : i32
      %add3A_268 = arith.constant 12288 : i32
      %add3A_269 = arith.addi %add3A_268, %mul3A_267 : i32
      %get3A_270 = arith.index_cast %add3A_269 : i32 to index
      %get3A_271 = tpu.vector_load %arg5[%get3A_270] {strides = array<i32>} : memref<16384xi32, #tpu.memory_space<vmem>>, vector<16xi32>,
      %gather3A_272 = tpu.vector_load_idx %arg6[%get3A_271] : memref<100000xf32, #tpu.memory_space<vmem>>[vector<16xi32>], vector<16xf32>,
      %mul3A_273 = arith.constant 16 : i32
      %mul3A_274 = arith.muli %scan3A_265, %mul3A_273 : i32
      %swap3A_275 = arith.index_cast %mul3A_274 : i32 to index
      %swap3A_276 = tpu.vector_load %arg8[%swap3A_275] {strides = array<i32>} : memref<4096xf32, #tpu.memory_space<vmem>>, vector<16xf32>,
      tpu.vector_store %arg8[%swap3A_275], %gather3A_272 {strides = array<i32>} : memref<4096xf32, #tpu.memory_space<vmem>>, vector<16xf32>,
    }
    %scan3A_147 = arith.constant 256 : i32
    %dma_start3A_148 = arith.constant 12288 : i32
    %dma_start3A_149 = tpu.memref_slice %arg4[%add3A_81, %dma_start3A_148] : memref<64x16384xf32, #tpu.memory_space<hbm>> -> memref<1x4096xf32, #tpu.memory_space<hbm>>
    %dma_start3A_150 = tpu.memref_squeeze %dma_start3A_149 : memref<1x4096xf32, #tpu.memory_space<hbm>> -> memref<4096xf32, #tpu.memory_space<hbm>>
    %dma_start3A_151 = arith.constant 12288 : i32
    %dma_start3A_152 = tpu.memref_slice %arg4[%add3A_81, %dma_start3A_151] : memref<64x16384xf32, #tpu.memory_space<hbm>> -> memref<1x4096xf32, #tpu.memory_space<hbm>>
    %dma_start3A_153 = tpu.memref_squeeze %dma_start3A_152 : memref<1x4096xf32, #tpu.memory_space<hbm>> -> memref<4096xf32, #tpu.memory_space<hbm>>
    tpu.enqueue_dma source(%arg8 : memref<4096xf32, #tpu.memory_space<vmem>>) target(%dma_start3A_153 : memref<4096xf32, #tpu.memory_space<hbm>>) target_semaphore(%arg11 : memref<!tpu.dma_semaphore, #tpu.memory_space<semaphore_mem>>)
    %mul3A_154 = arith.constant 2 : i32
    %mul3A_155 = arith.muli %add3A, %mul3A_154 : i32
    %add3A_156 = arith.constant 2 : i32
    %add3A_157 = arith.addi %mul3A_155, %add3A_156 : i32
    %sub3A = arith.constant 1 : i32
    %sub3A_158 = arith.subi %add3A_157, %sub3A : i32
    %dma_wait3A_159 = arith.constant 0 : i32
    %dma_wait3A_160 = tpu.memref_slice %arg4[%sub3A_158, %dma_wait3A_159] : memref<64x16384xf32, #tpu.memory_space<hbm>> -> memref<1x4096xf32, #tpu.memory_space<hbm>>
    %dma_wait3A_161 = tpu.memref_squeeze %dma_wait3A_160 : memref<1x4096xf32, #tpu.memory_space<hbm>> -> memref<4096xf32, #tpu.memory_space<hbm>>
    %dma_wait3A_162 = arith.constant 0 : i32
    %dma_wait3A_163 = tpu.memref_slice %arg4[%sub3A_158, %dma_wait3A_162] : memref<64x16384xf32, #tpu.memory_space<hbm>> -> memref<1x4096xf32, #tpu.memory_space<hbm>>
    %dma_wait3A_164 = tpu.memref_squeeze %dma_wait3A_163 : memref<1x4096xf32, #tpu.memory_space<hbm>> -> memref<4096xf32, #tpu.memory_space<hbm>>
    tpu.wait_dma2 semaphore(%arg10 : memref<!tpu.dma_semaphore, #tpu.memory_space<semaphore_mem>>) src(%arg7 : memref<4096xf32, #tpu.memory_space<vmem>>) dst(%dma_wait3A_164 : memref<4096xf32, #tpu.memory_space<hbm>>)
    %mul3A_165 = arith.constant 2 : i32
    %mul3A_166 = arith.muli %add3A, %mul3A_165 : i32
    %add3A_167 = arith.constant 2 : i32
    %add3A_168 = arith.addi %mul3A_166, %add3A_167 : i32
    %sub3A_169 = arith.constant 1 : i32
    %sub3A_170 = arith.subi %add3A_168, %sub3A_169 : i32
    %dma_wait3A_171 = arith.constant 0 : i32
    %dma_wait3A_172 = tpu.memref_slice %arg4[%sub3A_170, %dma_wait3A_171] : memref<64x16384xf32, #tpu.memory_space<hbm>> -> memref<1x4096xf32, #tpu.memory_space<hbm>>
    %dma_wait3A_173 = tpu.memref_squeeze %dma_wait3A_172 : memref<1x4096xf32, #tpu.memory_space<hbm>> -> memref<4096xf32, #tpu.memory_space<hbm>>
    %dma_wait3A_174 = arith.constant 0 : i32
    %dma_wait3A_175 = tpu.memref_slice %arg4[%sub3A_170, %dma_wait3A_174] : memref<64x16384xf32, #tpu.memory_space<hbm>> -> memref<1x4096xf32, #tpu.memory_space<hbm>>
    %dma_wait3A_176 = tpu.memref_squeeze %dma_wait3A_175 : memref<1x4096xf32, #tpu.memory_space<hbm>> -> memref<4096xf32, #tpu.memory_space<hbm>>
    tpu.wait_dma2 semaphore(%arg11 : memref<!tpu.dma_semaphore, #tpu.memory_space<semaphore_mem>>) src(%arg8 : memref<4096xf32, #tpu.memory_space<vmem>>) dst(%dma_wait3A_176 : memref<4096xf32, #tpu.memory_space<hbm>>)
    return
  }
}

</mosaic_0001>

<sc_bundles>
// kernel: kernel.3.cloned.1.call-start
scs
__scs_entry_jumppad:
0x0: {  	(pc) =	sbr.rel $0x88, $3  }
0x1: {  	(tag) =	ssettag $0x0;
	lr =	simm.s32 $0x1  }
0x2: {  	[smem:$0x3F9F] =	sst lr;
	_ =	strace $0xD0000000  }
0x3: {  	_ = 	snop  }
0x4: {  	_ = 	snop  }
0x5: {  	_ = 	snop  }
0x6: {  	_ = 	snop  }
0x7: {  	_ = 	snop  }
__scs_overlays_trampoline_lowered:
0x8: {  	[smem:$0x3FAE] =	sst s0  }
0x9: {  	[smem:$0x3FAF] =	sst s1  }
0xa: {  	[smem:$0x3FB0] =	sst s2  }
0xb: {  	[smem:$0x3FB1] =	sst s3  }
0xc: {  	[smem:$0x3FB2] =	sst s4  }
0xd: {  	[smem:$0x3FB3] =	sst s5  }
0xe: {  	[smem:$0x3FB4] =	sst s6  }
0xf: {  	[smem:$0x3FB5] =	sst s7  }
0x10: {  	[smem:$0x3FB6] =	sst s8  }
0x11: {  	[smem:$0x3FB7] =	sst s9;
	s0 =	simm.s32 @!p0 $0x0  }
0x12: {  	s1 =	sld [smem:$0x3F9D];
	s0 =	simm.s32 @p0 $0x1  }
0x13: {  	[smem:$0x3FB8] =	sst s0;
	s0 =	simm.s32 @!p1 $0x0  }
0x14: {  	s2 =	sld [smem:$0x3F9C];
	s0 =	simm.s32 @p1 $0x1  }
0x15: {  	[smem:$0x3FB9] =	sst s0;
	s0 =	simm.s32 @!p2 $0x0  }
0x16: {  	s3 =	sld [smem:$0x3FDB];
	s0 =	simm.s32 @p2 $0x1  }
0x17: {  	s4 =	simm.s32 $0x1BF5;
	[smem:$0x3FBB] =	sst s0  }
0x18: {  	s0 =	sld [smem:$0x3F9E];
	_ =	swait.ge [sflag:s4], $0x0  }
0x19: {  	s7 =	sld [smem:$0x3F9F]  }
0x1a: {  	s8 =	sadd.s32 $0xFFFFE003, lr  }
0x1b: {  	s9 =	sadd.s32 $0xFFFFFEF7, lr;
	s5 =	simm.s32 $0xFFFFFFFF;
	p2 =	slt.u32 s8, $0xFFFFF086  }
0x1c: {  	p1 =	slt.u32 s9, $0xF7A;
	s5 =	simm.s32 @!p2 $0x0  }
0x1d: {  	s5 =	simm.s32 @p1 $0x1;
	p0 =	seq.s32 s7, s2  }
0x1e: {  	s7 =	smul.u32 @!p0 $0xF7A, s2;
	p2 =	seq.s32 @!p0 s5, $0x0  }
0x1f: {  	s9 =	smul.u32 $0xF7A, s1;
	s8 =	simm.s32 @!p0 $0x1BF5;
	p2 =	por !p2, p0  }
0x20: {  	[sflag:s8] =	ssyncset.s32 @!p0 $0xFFFFF086;
	s6 =	sadd.s32 @!p0 s3, s7;
	s7 =	simm.s32 @!p0 $0x108  }
0x21: {  	s3 =	sadd.s32 s3, s9;
	s6 =	sadd.s32 @!p0 $0x88, s6;
	s7 =	simm.s32 @p2 $0x1082  }
0x22: {  	[simem:s7], [sflag:s8] =	dma.local @!p0 [hbm:s6], $0xF7A  }
0x23: {  	s9 =	sor.u32 $0xD0000000, s2;
	s6 =	simm.s32 $0x108;
	_ =	swait.ge @!p0 [sflag:s8], $0x0  }
0x24: {  	s3 =	sadd.s32 $0x88, s3;
	s6 =	simm.s32 @!p1 $0x1082;
	[sflag:s4] =	ssyncset.s32 $0xFFFFF086  }
0x25: {  	[simem:s6], [sflag:s4] =	dma.local [hbm:s3], $0xF7A  }
0x26: {  	[smem:$0x3F9F] =	sst s1;
	(tag) =	ssettag s2;
	_ =	strace s9  }
0x27: {  	s1 =	sld [smem:$0x3FAF]  }
0x28: {  	s2 =	sld [smem:$0x3FB0]  }
0x29: {  	s4 =	sld [smem:$0x3FB2]  }
0x2a: {  	p0 =	seq.s32 s5, $0x0;
	s5 =	sld [smem:$0x3FB3]  }
0x2b: {  	s6 =	sld [smem:$0x3FB4]  }
0x2c: {  	s7 =	sld [smem:$0x3FB5]  }
0x2d: {  	s3 =	simm.s32 $0x108;
	s8 =	sld [smem:$0x3FB6]  }
0x2e: {  	s3 =	simm.s32 @!p0 $0x1082;
	s9 =	sld [smem:$0x3FB7]  }
0x2f: {  	lr =	sadd.s32 s0, s3;
	s0 =	sld [smem:$0x3FAE]  }
0x30: {  	s3 =	sld [smem:$0x3FB1]  }
0x31: {  	[smem:$0x3FBA] =	sst s10  }
0x32: {  	s10 =	sld [smem:$0x3FB8];
	_ =	sdelay $0x3  }
0x33: {  	p0 =	seq.s32 s10, $0x1;
	s10 =	sld [smem:$0x3FBA];
	_ =	sdelay $0x3  }
0x34: {  	[smem:$0x3FBA] =	sst s10  }
0x35: {  	s10 =	sld [smem:$0x3FB9];
	_ =	sdelay $0x3  }
0x36: {  	p1 =	seq.s32 s10, $0x1;
	s10 =	sld [smem:$0x3FBA];
	_ =	sdelay $0x3  }
0x37: {  	[smem:$0x3FBA] =	sst s10  }
0x38: {  	s10 =	sld [smem:$0x3FBB]  }
0x39: {  	_ = 	snop;
	(pc) =	sbr.ind lr, $3  }
0x3a: {  	_ = 	snop  }
0x3b: {  	_ = 	snop  }
0x3c: {  	p2 =	seq.s32 s10, $0x1;
	s10 =	sld [smem:$0x3FBA]  }
0x3d: {  	_ =	shalt  }
0x3e: {  	_ =	shalt  }
0x3f: {  	_ =	shalt  }
0x40: {  	_ =	shalt  }
0x41: {  	_ =	shalt  }
0x42: {  	_ =	shalt  }
0x43: {  	_ =	shalt  }
0x44: {  	_ =	shalt  }
0x45: {  	_ =	shalt  }
0x46: {  	_ =	shalt  }
0x47: {  	_ =	shalt  }
0x48: {  	_ =	shalt  }
0x49: {  	_ =	shalt  }
0x4a: {  	_ =	shalt  }
0x4b: {  	_ =	shalt  }
0x4c: {  	_ =	shalt  }
0x4d: {  	_ =	shalt  }
0x4e: {  	_ =	shalt  }
0x4f: {  	_ =	shalt  }
0x50: {  	_ =	shalt  }
0x51: {  	_ =	shalt  }
0x52: {  	_ =	shalt  }
0x53: {  	_ =	shalt  }
0x54: {  	_ =	shalt  }
0x55: {  	_ =	shalt  }
0x56: {  	_ =	shalt  }
0x57: {  	_ =	shalt  }
0x58: {  	_ =	shalt  }
0x59: {  	_ =	shalt  }
0x5a: {  	_ =	shalt  }
0x5b: {  	_ =	shalt  }
0x5c: {  	_ =	shalt  }
0x5d: {  	_ =	shalt  }
0x5e: {  	_ =	shalt  }
0x5f: {  	_ =	shalt  }
0x60: {  	_ =	shalt  }
0x61: {  	_ =	shalt  }
0x62: {  	_ =	shalt  }
0x63: {  	_ =	shalt  }
0x64: {  	_ =	shalt  }
0x65: {  	_ =	shalt  }
0x66: {  	_ =	shalt  }
0x67: {  	_ =	shalt  }
0x68: {  	_ =	shalt  }
0x69: {  	_ =	shalt  }
0x6a: {  	_ =	shalt  }
0x6b: {  	_ =	shalt  }
0x6c: {  	_ =	shalt  }
0x6d: {  	_ =	shalt  }
0x6e: {  	_ =	shalt  }
0x6f: {  	_ =	shalt  }
0x70: {  	_ =	shalt  }
0x71: {  	_ =	shalt  }
0x72: {  	_ =	shalt  }
0x73: {  	_ =	shalt  }
0x74: {  	_ =	shalt  }
0x75: {  	_ =	shalt  }
0x76: {  	_ =	shalt  }
0x77: {  	_ =	shalt  }
0x78: {  	_ =	shalt  }
0x79: {  	_ =	shalt  }
0x7a: {  	_ =	shalt  }
0x7b: {  	_ =	shalt  }
0x7c: {  	_ =	shalt  }
0x7d: {  	_ =	shalt  }
0x7e: {  	_ =	shalt  }
0x7f: {  	_ =	shalt  }
0x80: {  	_ =	shalt  }
0x81: {  	_ =	shalt  }
0x82: {  	_ =	shalt  }
0x83: {  	_ =	shalt  }
0x84: {  	_ =	shalt  }
0x85: {  	_ =	shalt  }
0x86: {  	_ =	shalt  }
0x87: {  	_ =	shalt  }
.Lfunc_end0:
.L_simem_size_0:
called_computation_lowered:
.L_overlay_start_0:
0x88: {  	s2 =	sld [smem:$0x3FD9]  }
0x89: {  	s3 =	sld [smem:$0x3FFE];
	_ =	sdelay $0x1  }
0x8a: {  	s1 =	srdreg.scid  }
0x8b: {  	s0 =	sand.u32 $0x1, s1  }
0x8c: {  	s18 =	sshll.u32 s0, $0xA;
	s2 =	sadd.s32 s3, s2  }
0x8d: {  	s2 =	sadd.s32 s2, s18  }
0x8e: {  	[smem:$0x3FC6] =	sst s2  }
0x8f: {  	_ = 	snop  }
0x90: {  	s2 =	sld [smem:$0x3FC9]  }
0x91: {  	s19 =	sld [smem:$0x3FC8]  }
0x92: {  	s4 =	sld [smem:$0x3FD0];
	(tm) =	ssettm $0x1  }
0x93: {  	s5 =	sld [smem:$0x3FFB];
	_ =	sdelay $0x3  }
0x94: {  	_ =	strace s5  }
0x95: {  	s5 =	sld [smem:$0x3FFC];
	_ =	sdelay $0x3  }
0x96: {  	_ =	strace s5  }
0x97: {  	s5 =	sld [smem:$0x3FFD];
	_ =	sdelay $0x3  }
0x98: {  	_ =	strace s5  }
0x99: {  	_ =	strace $0x8FFFFFFF  }
0x9a: {  	s20 =	sld [smem:$0x3FDB];
	_ =	sdelay $0x1  }
0x9b: {  	s6 =	simm.s32 $_scs_section_size  }
0x9c: {  	s7 =	simm.s32 $_size__tile_overlayer_lowered;
	s8 =	simm.s32 $_tile_overlayer_lowered  }
0x9d: {  	s23 =	simm.s32 $0x1BFF;
	s22 =	sshll.u32 s8, $0x1;
	s5 =	sadd.s32 s6, s20  }
0x9e: {  	s9 =	simm.s32 $0x0;
	s21 =	sshll.u32 s7, $0x1;
	s7 =	sadd.s32 s22, s5  }
0x9f: {  	[timem:s9], [sflag:s23] =	dma.local [hbm:s7], s21  }
0xa0: {  	_ =	swait.ge [sflag:s23], s21  }
0xa1: {  	s6 =	ssub.s32 $0x0, s21;
	[sflag:s23] =	ssyncset.done $0x0  }
0xa2: {  	[sflag:s23] =	ssyncadd.s32 s6;
	_ =	sdelay $0x1  }
0xa3: {  	s24 =	simm.s32 $0x1B8B  }
0xa4: {  	_ =	swait.ge [sflag:s24], $0x1  }
0xa5: {  	[sflag:s24] =	ssyncset.done $0x0  }
0xa6: {  	s25 =	simm.s32 $0x1B8E;
	[sflag:s24] =	ssyncadd.s32 $0xFFFFFFFF  }
0xa7: {  	s26 =	simm.s32 $execute0_lowered;
	[smem:$0x3FD2] =	sst s25  }
0xa8: {  	s6 =	sshll.u32 s26, $0x1;
	_ =	strace $0x80000046;
	[dreg:$0x1] =	wrdreg $0xFFFFFFFF  }
0xa9: {  	s28 =	simm.s32 $_size_execute0_lowered;
	s5 =	sadd.s32 s5, s6;
	[dreg:$0x0] =	wrdreg $0x0  }
0xaa: {  	s6 =	sshll.u32 s28, $0x1;
	[dreg:$0x2] =	wrdreg s5  }
0xab: {  	[dreg:$0x3] =	wrdreg s6  }
0xac: {  	[dreg:$0x4] =	wrdreg $0xC0  }
0xad: {  	_ =	task [dreg:s9], $0x5FFFF  }
0xae: {  	[dreg:$0x1] =	wrdreg $0xFFFFFFFF  }
0xaf: {  	[dreg:$0x0] =	wrdreg $0x60  }
0xb0: {  	[dreg:$0x2] =	wrdreg s2  }
0xb1: {  	[dreg:$0x3] =	wrdreg s19  }
0xb2: {  	[dreg:$0x4] =	wrdreg s4  }
0xb3: {  	[dreg:$0x5] =	wrdreg $0x9  }
0xb4: {  	_ =	task.clear_ibuf [dreg:s9], $0x6FFFF;
	_ =	strace $0x90000046  }
0xb5: {  	s29 =	simm.s32 $0x9;
	_ =	strace $0x80000048  }
0xb6: {  	_ =	swait.ge [sflag:s29], $0x1  }
0xb7: {  	[sflag:s29] =	ssyncadd.s32 $0xFFFFFFFF  }
0xb8: {  	_ =	strace $0x90000048  }
0xb9: {  	_ =	sfence  }
0xba: {  	s30 =	sld [smem:$0x0];
	_ =	sdelay $0x2  }
0xbb: {  	s31 =	sshll.u32 s1, $0xD;
	s1 =	sshrl.u32 s1, $0x2  }
0xbc: {  	s3 =	sand.u32 $0x4000, s31;
	s1 =	sadd.s32 s1, s30  }
0xbd: {  	s0 =	sor.u32 s3, s0;
	s1 =	sshll.u32 s1, $0x11  }
0xbe: {  	s0 =	sor.u32 s1, s0  }
0xbf: {  	s0 =	sadd.s32 $0x8F2B, s0  }
0xc0: {  	[sflag:s0] =	ssyncadd.remote.s32 $0x1  }
0xc1: {  	_ =	sfence.sel $0xFFFF  }
0xc2: {  	[dreg:$0x0] =	wrdreg $0xFFFFFFFF;
	(pc) =	sbr.abs _section_cstart, $3  }
0xc3: {  	[dreg:$0x1] =	wrdreg $0xFFFFFFFF  }
0xc4: {  	_ =	task.clear_ibuf [dreg:s9], $0x2FFFF;
	_ =	strace $0x9FFFFFFF  }
0xc5: {  	(tm) =	ssettm $0x7FFFFFFF  }
tec
execute0_lowered:
.L_overlay_start_1:
0x0: {  	(tag) =	ssettag $0x1  }
0x1: {  	s1 =	rddreg [dreg:$0x0]  }
0x2: {  	s9 =	rddreg [dreg:$0x1]  }
0x3: {  	s10 =	rddreg [dreg:$0x2]  }
0x4: {  	s0 =	rddreg [dreg:$0x3];
	s3 =	simm.s32 $0x0  }
0x5: {  	s4 =	srdreg.scid;
	s2 =	stileid.u32;
	s19 =	simm.s32 $0x1  }
0x6: {  	s20 =	simm.s32 $0x1C700;
	s21 =	simm.s32 $0x1D700;
	s22 =	simm.s32 $0x2  }
0x7: {  	s23 =	simm.s32 $0x3;
	s24 =	simm.s32 $0x0;
	[smem:$0x7FF] =	sst s3  }
0x8: {  	s4 =	sand.u32 $0x1, s4;
	s5 =	sshll.u32 s2, $0x9;
	s6 =	sshrl.u32 s2, $0x1  }
0x9: {  	s30 =	sadd.s32 $0x1000, s10;
	s15 =	sadd.s32 $0x2000, s10;
	s17 =	sadd.s32 $0x3000, s10  }
0xa: {  	s7 =	sshll.u32 s4, $0x8;
	s5 =	sand.u32 $0x200, s5;
	s8 =	smul.u32 $0xC3800, s6  }
0xb: {  	_ =	strace $0x80000047;
	s4 =	ssub.s32 $0x2, s4;
	s7 =	sor.u32 s7, s5  }
0xc: {  	s11 =	sshll.u32 s6, $0x11;
	s12 =	sshrl.u32 s4, $0x1;
	s5 =	sor.u32 s8, s7  }
0xd: {  	s6 =	sor.u32 s11, s7;
	s14 =	ssub.s32 s4, s12;
	s16 =	sor.u32 $0x80, s7  }
0xe: {  	s5 =	sshrl.u32 s5, $0x3;
	s13 =	sshrl.u32 s6, $0x3;
	s8 =	sor.u32 s8, s16  }
0xf: {  	s11 =	sor.u32 s11, s16;
	s14 =	smax.u32 s14, $0x1;
	s16 =	simm.s32 $0x400  }
0x10: {  	s4 =	sadd.s32 s9, s5;
	s5 =	sadd.s32 s10, s13;
	s6 =	sadd.s32 s13, s30  }
0x11: {  	s7 =	sadd.s32 s13, s15;
	s18 =	sshrl.u32 s8, $0x3;
	s31 =	sshrl.u32 s11, $0x3  }
0x12: {  	s8 =	sadd.s32 s13, s17;
	s9 =	sadd.s32 s9, s18;
	s10 =	sadd.s32 s10, s31  }
0x13: {  	s11 =	sadd.s32 s31, s30;
	s12 =	sadd.s32 s31, s15;
	s13 =	sadd.s32 s31, s17  }
0x14: {  	s15 =	simm.s32 $0x80;
	s17 =	simm.s32 $0x4000;
	s18 =	simm.s32 $0x4  }
.LBB2_1:
0x15: {  	[tilespmem:s17], [sflag:$0x1] =	stream.strided.gather [hbm4b:s4+s15], $0x18700, s16, s15, $0x38;
	[tilespmem:$0x1E700] =	vst v63  }
0x16: {  	_ = 	snop  }
0x17: {  	[tilespmem:s3], [sflag:$0x4] =	stream.linear.gather [hbm4b:s1+s3], $0x4000, $0x38;
	[tilespmem:$0x1E700] =	vst v63  }
0x18: {  	_ =	swait.ge [sflag:s18], $0x4000  }
0x19: {  	[sflag:s18] =	ssyncset.done $0x0  }
0x1a: {  	[sflag:s18] =	ssyncadd.s32 $0xFFFFC000  }
0x1b: {  	_ =	swait.ge [sflag:s19], $0x18700  }
0x1c: {  	s25 =	simm.s32 $0xFFFFFFF8;
	[sflag:s19] =	ssyncset.done $0x0  }
0x1d: {  	s26 =	simm.s32 $0x40;
	s28 =	simm.s32 $0x1C740;
	[sflag:s19] =	ssyncadd.s32 $0xFFFE7900  }
.LBB2_2:
0x1e: {  	v0 =	vld [tilespmem:s26+$0xFFFFFFC0];
	_ =	sdelay $0x7  }
0x1f: {  	v0 =	vld.idx.msk [tilespmem:v0+s17+$0x0], $0xffff;
	_ =	sdelay $0x4  }
0x20: {  	[tilespmem:s28+$0xFFFFFFC0] =	vst v0  }
0x21: {  	v0 =	vld [tilespmem:s26+$0xFFFFFFD0];
	_ =	sdelay $0x7  }
0x22: {  	v0 =	vld.idx.msk [tilespmem:v0+s17+$0x0], $0xffff;
	_ =	sdelay $0x4  }
0x23: {  	[tilespmem:s28+$0xFFFFFFD0] =	vst v0  }
0x24: {  	v0 =	vld [tilespmem:s26+$0xFFFFFFE0];
	_ =	sdelay $0x7  }
0x25: {  	v0 =	vld.idx.msk [tilespmem:v0+s17+$0x0], $0xffff;
	_ =	sdelay $0x4  }
0x26: {  	[tilespmem:s28+$0xFFFFFFE0] =	vst v0  }
0x27: {  	v0 =	vld [tilespmem:s26+$0xFFFFFFF0];
	_ =	sdelay $0x7  }
0x28: {  	v0 =	vld.idx.msk [tilespmem:v0+s17+$0x0], $0xffff;
	_ =	sdelay $0x4  }
0x29: {  	[tilespmem:s28+$0xFFFFFFF0] =	vst v0  }
0x2a: {  	v0 =	vld [tilespmem:s26+$0x0];
	_ =	sdelay $0x7  }
0x2b: {  	v0 =	vld.idx.msk [tilespmem:v0+s17+$0x0], $0xffff;
	_ =	sdelay $0x4  }
0x2c: {  	[tilespmem:s28+$0x0] =	vst v0  }
0x2d: {  	v0 =	vld [tilespmem:s26+$0x10];
	_ =	sdelay $0x7  }
0x2e: {  	v0 =	vld.idx.msk [tilespmem:v0+s17+$0x0], $0xffff;
	_ =	sdelay $0x4  }
0x2f: {  	[tilespmem:s28+$0x10] =	vst v0  }
0x30: {  	v0 =	vld [tilespmem:s26+$0x20];
	_ =	sdelay $0x7  }
0x31: {  	v0 =	vld.idx.msk [tilespmem:v0+s17+$0x0], $0xffff;
	_ =	sdelay $0x4  }
0x32: {  	[tilespmem:s28+$0x20] =	vst v0  }
0x33: {  	v0 =	vld [tilespmem:s26+$0x30];
	_ =	sdelay $0x6  }
0x34: {  	s25 =	sadd.s32 $0x8, s25  }
0x35: {  	p0 =	slt.u32 s25, $0xF8;
	v0 =	vld.idx.msk [tilespmem:v0+s17+$0x0], $0xffff  }
.Ltmp0:
0x36: {  	_ = 	snop;
	(pc) =	sbr.rel @p0 .LBB2_2-.Ltmp0, $2  }
0x37: {  	_ =	sdelay $0x2  }
0x38: {  	s26 =	sadd.s32 $0x80, s26;
	[tilespmem:s28+$0x30] =	vst v0;
	s28 =	sadd.s32 $0x80, s28  }
0x39: {  	[hbm4b:s5+s15] =	stream.strided.scatter [tilespmem:s20], [sflag:$0x2], $0x1000, s16, s15, $0x38;
	[tilespmem:$0x1E700] =	vst v63  }
0x3a: {  	s25 =	simm.s32 $0xFFFFFFF8;
	s26 =	simm.s32 $0x1070;
	s28 =	simm.s32 $0x1D740  }
.LBB2_4:
0x3b: {  	v0 =	vld [tilespmem:s26+$0xFFFFFF90];
	_ =	sdelay $0x7  }
0x3c: {  	v0 =	vld.idx.msk [tilespmem:v0+s17+$0x0], $0xffff;
	_ =	sdelay $0x4  }
0x3d: {  	[tilespmem:s28+$0xFFFFFFC0] =	vst v0  }
0x3e: {  	v0 =	vld [tilespmem:s26+$0xFFFFFFA0];
	_ =	sdelay $0x7  }
0x3f: {  	v0 =	vld.idx.msk [tilespmem:v0+s17+$0x0], $0xffff;
	_ =	sdelay $0x4  }
0x40: {  	[tilespmem:s28+$0xFFFFFFD0] =	vst v0  }
0x41: {  	v0 =	vld [tilespmem:s26+$0xFFFFFFB0];
	_ =	sdelay $0x7  }
0x42: {  	v0 =	vld.idx.msk [tilespmem:v0+s17+$0x0], $0xffff;
	_ =	sdelay $0x4  }
0x43: {  	[tilespmem:s28+$0xFFFFFFE0] =	vst v0  }
0x44: {  	v0 =	vld [tilespmem:s26+$0xFFFFFFC0];
	_ =	sdelay $0x7  }
0x45: {  	v0 =	vld.idx.msk [tilespmem:v0+s17+$0x0], $0xffff;
	_ =	sdelay $0x4  }
0x46: {  	[tilespmem:s28+$0xFFFFFFF0] =	vst v0  }
0x47: {  	v0 =	vld [tilespmem:s26+$0xFFFFFFD0];
	_ =	sdelay $0x7  }
0x48: {  	v0 =	vld.idx.msk [tilespmem:v0+s17+$0x0], $0xffff;
	_ =	sdelay $0x4  }
0x49: {  	[tilespmem:s28+$0x0] =	vst v0  }
0x4a: {  	v0 =	vld [tilespmem:s26+$0xFFFFFFE0];
	_ =	sdelay $0x7  }
0x4b: {  	v0 =	vld.idx.msk [tilespmem:v0+s17+$0x0], $0xffff;
	_ =	sdelay $0x4  }
0x4c: {  	[tilespmem:s28+$0x10] =	vst v0  }
0x4d: {  	v0 =	vld [tilespmem:s26+$0xFFFFFFF0];
	_ =	sdelay $0x7  }
0x4e: {  	v0 =	vld.idx.msk [tilespmem:v0+s17+$0x0], $0xffff;
	_ =	sdelay $0x4  }
0x4f: {  	[tilespmem:s28+$0x20] =	vst v0  }
0x50: {  	v0 =	vld [tilespmem:s26+$0x0];
	_ =	sdelay $0x6  }
0x51: {  	s25 =	sadd.s32 $0x8, s25  }
0x52: {  	p0 =	slt.u32 s25, $0xF8;
	v0 =	vld.idx.msk [tilespmem:v0+s17+$0x0], $0xffff  }
.Ltmp1:
0x53: {  	_ = 	snop;
	(pc) =	sbr.rel @p0 .LBB2_4-.Ltmp1, $2  }
0x54: {  	_ =	sdelay $0x2  }
0x55: {  	s26 =	sadd.s32 $0x80, s26;
	[tilespmem:s28+$0x30] =	vst v0;
	s28 =	sadd.s32 $0x80, s28  }
0x56: {  	[hbm4b:s6+s15] =	stream.strided.scatter [tilespmem:s21], [sflag:$0x3], $0x1000, s16, s15, $0x38;
	[tilespmem:$0x1E700] =	vst v63  }
0x57: {  	_ =	swait.ge [sflag:s22], $0x1000  }
0x58: {  	s25 =	simm.s32 $0xFFFFFFF8;
	[sflag:s22] =	ssyncset.done $0x0  }
0x59: {  	s26 =	simm.s32 $0x2070;
	s28 =	simm.s32 $0x1C740;
	[sflag:s22] =	ssyncadd.s32 $0xFFFFF000  }
.LBB2_6:
0x5a: {  	v0 =	vld [tilespmem:s26+$0xFFFFFF90];
	_ =	sdelay $0x7  }
0x5b: {  	v0 =	vld.idx.msk [tilespmem:v0+s17+$0x0], $0xffff;
	_ =	sdelay $0x4  }
0x5c: {  	[tilespmem:s28+$0xFFFFFFC0] =	vst v0  }
0x5d: {  	v0 =	vld [tilespmem:s26+$0xFFFFFFA0];
	_ =	sdelay $0x7  }
0x5e: {  	v0 =	vld.idx.msk [tilespmem:v0+s17+$0x0], $0xffff;
	_ =	sdelay $0x4  }
0x5f: {  	[tilespmem:s28+$0xFFFFFFD0] =	vst v0  }
0x60: {  	v0 =	vld [tilespmem:s26+$0xFFFFFFB0];
	_ =	sdelay $0x7  }
0x61: {  	v0 =	vld.idx.msk [tilespmem:v0+s17+$0x0], $0xffff;
	_ =	sdelay $0x4  }
0x62: {  	[tilespmem:s28+$0xFFFFFFE0] =	vst v0  }
0x63: {  	v0 =	vld [tilespmem:s26+$0xFFFFFFC0];
	_ =	sdelay $0x7  }
0x64: {  	v0 =	vld.idx.msk [tilespmem:v0+s17+$0x0], $0xffff;
	_ =	sdelay $0x4  }
0x65: {  	[tilespmem:s28+$0xFFFFFFF0] =	vst v0  }
0x66: {  	v0 =	vld [tilespmem:s26+$0xFFFFFFD0];
	_ =	sdelay $0x7  }
0x67: {  	v0 =	vld.idx.msk [tilespmem:v0+s17+$0x0], $0xffff;
	_ =	sdelay $0x4  }
0x68: {  	[tilespmem:s28+$0x0] =	vst v0  }
0x69: {  	v0 =	vld [tilespmem:s26+$0xFFFFFFE0];
	_ =	sdelay $0x7  }
0x6a: {  	v0 =	vld.idx.msk [tilespmem:v0+s17+$0x0], $0xffff;
	_ =	sdelay $0x4  }
0x6b: {  	[tilespmem:s28+$0x10] =	vst v0  }
0x6c: {  	v0 =	vld [tilespmem:s26+$0xFFFFFFF0];
	_ =	sdelay $0x7  }
0x6d: {  	v0 =	vld.idx.msk [tilespmem:v0+s17+$0x0], $0xffff;
	_ =	sdelay $0x4  }
0x6e: {  	[tilespmem:s28+$0x20] =	vst v0  }
0x6f: {  	v0 =	vld [tilespmem:s26+$0x0];
	_ =	sdelay $0x6  }
0x70: {  	s25 =	sadd.s32 $0x8, s25  }
0x71: {  	p0 =	slt.u32 s25, $0xF8;
	v0 =	vld.idx.msk [tilespmem:v0+s17+$0x0], $0xffff  }
.Ltmp2:
0x72: {  	_ = 	snop;
	(pc) =	sbr.rel @p0 .LBB2_6-.Ltmp2, $2  }
0x73: {  	_ =	sdelay $0x2  }
0x74: {  	s26 =	sadd.s32 $0x80, s26;
	[tilespmem:s28+$0x30] =	vst v0;
	s28 =	sadd.s32 $0x80, s28  }
0x75: {  	[hbm4b:s7+s15] =	stream.strided.scatter [tilespmem:s20], [sflag:$0x2], $0x1000, s16, s15, $0x38;
	[tilespmem:$0x1E700] =	vst v63  }
0x76: {  	_ =	swait.ge [sflag:s23], $0x1000  }
0x77: {  	s25 =	simm.s32 $0xFFFFFFF8;
	[sflag:s23] =	ssyncset.done $0x0  }
0x78: {  	s26 =	simm.s32 $0x3070;
	s28 =	simm.s32 $0x1D740;
	[sflag:s23] =	ssyncadd.s32 $0xFFFFF000  }
.LBB2_8:
0x79: {  	v0 =	vld [tilespmem:s26+$0xFFFFFF90];
	_ =	sdelay $0x7  }
0x7a: {  	v0 =	vld.idx.msk [tilespmem:v0+s17+$0x0], $0xffff;
	_ =	sdelay $0x4  }
0x7b: {  	[tilespmem:s28+$0xFFFFFFC0] =	vst v0  }
0x7c: {  	v0 =	vld [tilespmem:s26+$0xFFFFFFA0];
	_ =	sdelay $0x7  }
0x7d: {  	v0 =	vld.idx.msk [tilespmem:v0+s17+$0x0], $0xffff;
	_ =	sdelay $0x4  }
0x7e: {  	[tilespmem:s28+$0xFFFFFFD0] =	vst v0  }
0x7f: {  	v0 =	vld [tilespmem:s26+$0xFFFFFFB0];
	_ =	sdelay $0x7  }
0x80: {  	v0 =	vld.idx.msk [tilespmem:v0+s17+$0x0], $0xffff;
	_ =	sdelay $0x4  }
0x81: {  	[tilespmem:s28+$0xFFFFFFE0] =	vst v0  }
0x82: {  	v0 =	vld [tilespmem:s26+$0xFFFFFFC0];
	_ =	sdelay $0x7  }
0x83: {  	v0 =	vld.idx.msk [tilespmem:v0+s17+$0x0], $0xffff;
	_ =	sdelay $0x4  }
0x84: {  	[tilespmem:s28+$0xFFFFFFF0] =	vst v0  }
0x85: {  	v0 =	vld [tilespmem:s26+$0xFFFFFFD0];
	_ =	sdelay $0x7  }
0x86: {  	v0 =	vld.idx.msk [tilespmem:v0+s17+$0x0], $0xffff;
	_ =	sdelay $0x4  }
0x87: {  	[tilespmem:s28+$0x0] =	vst v0  }
0x88: {  	v0 =	vld [tilespmem:s26+$0xFFFFFFE0];
	_ =	sdelay $0x7  }
0x89: {  	v0 =	vld.idx.msk [tilespmem:v0+s17+$0x0], $0xffff;
	_ =	sdelay $0x4  }
0x8a: {  	[tilespmem:s28+$0x10] =	vst v0  }
0x8b: {  	v0 =	vld [tilespmem:s26+$0xFFFFFFF0];
	_ =	sdelay $0x7  }
0x8c: {  	v0 =	vld.idx.msk [tilespmem:v0+s17+$0x0], $0xffff;
	_ =	sdelay $0x4  }
0x8d: {  	[tilespmem:s28+$0x20] =	vst v0  }
0x8e: {  	v0 =	vld [tilespmem:s26+$0x0];
	_ =	sdelay $0x6  }
0x8f: {  	s25 =	sadd.s32 $0x8, s25  }
0x90: {  	p0 =	slt.u32 s25, $0xF8;
	v0 =	vld.idx.msk [tilespmem:v0+s17+$0x0], $0xffff  }
.Ltmp3:
0x91: {  	_ = 	snop;
	(pc) =	sbr.rel @p0 .LBB2_8-.Ltmp3, $2  }
0x92: {  	_ =	sdelay $0x2  }
0x93: {  	s26 =	sadd.s32 $0x80, s26;
	[tilespmem:s28+$0x30] =	vst v0;
	s28 =	sadd.s32 $0x80, s28  }
0x94: {  	[hbm4b:s8+s15] =	stream.strided.scatter [tilespmem:s21], [sflag:$0x3], $0x1000, s16, s15, $0x38;
	[tilespmem:$0x1E700] =	vst v63  }
0x95: {  	_ = 	snop  }
0x96: {  	[tilespmem:s17], [sflag:$0x4] =	stream.strided.gather [hbm4b:s9+s15], $0x18700, s16, s15, $0x38;
	[tilespmem:$0x1E700] =	vst v63  }
0x97: {  	_ =	swait.ge [sflag:s18], $0x18700  }
0x98: {  	[sflag:s18] =	ssyncset.done $0x0  }
0x99: {  	[sflag:s18] =	ssyncadd.s32 $0xFFFE7900  }
0x9a: {  	_ =	swait.ge [sflag:s22], $0x1000  }
0x9b: {  	s25 =	simm.s32 $0xFFFFFFF8;
	[sflag:s22] =	ssyncset.done $0x0  }
0x9c: {  	s26 =	simm.s32 $0x40;
	s28 =	simm.s32 $0x1C740;
	[sflag:s22] =	ssyncadd.s32 $0xFFFFF000  }
.LBB2_10:
0x9d: {  	v0 =	vld [tilespmem:s26+$0xFFFFFFC0];
	_ =	sdelay $0x7  }
0x9e: {  	v0 =	vld.idx.msk [tilespmem:v0+s17+$0x0], $0xffff;
	_ =	sdelay $0x4  }
0x9f: {  	[tilespmem:s28+$0xFFFFFFC0] =	vst v0  }
0xa0: {  	v0 =	vld [tilespmem:s26+$0xFFFFFFD0];
	_ =	sdelay $0x7  }
0xa1: {  	v0 =	vld.idx.msk [tilespmem:v0+s17+$0x0], $0xffff;
	_ =	sdelay $0x4  }
0xa2: {  	[tilespmem:s28+$0xFFFFFFD0] =	vst v0  }
0xa3: {  	v0 =	vld [tilespmem:s26+$0xFFFFFFE0];
	_ =	sdelay $0x7  }
0xa4: {  	v0 =	vld.idx.msk [tilespmem:v0+s17+$0x0], $0xffff;
	_ =	sdelay $0x4  }
0xa5: {  	[tilespmem:s28+$0xFFFFFFE0] =	vst v0  }
0xa6: {  	v0 =	vld [tilespmem:s26+$0xFFFFFFF0];
	_ =	sdelay $0x7  }
0xa7: {  	v0 =	vld.idx.msk [tilespmem:v0+s17+$0x0], $0xffff;
	_ =	sdelay $0x4  }
0xa8: {  	[tilespmem:s28+$0xFFFFFFF0] =	vst v0  }
0xa9: {  	v0 =	vld [tilespmem:s26+$0x0];
	_ =	sdelay $0x7  }
0xaa: {  	v0 =	vld.idx.msk [tilespmem:v0+s17+$0x0], $0xffff;
	_ =	sdelay $0x4  }
0xab: {  	[tilespmem:s28+$0x0] =	vst v0  }
0xac: {  	v0 =	vld [tilespmem:s26+$0x10];
	_ =	sdelay $0x7  }
0xad: {  	v0 =	vld.idx.msk [tilespmem:v0+s17+$0x0], $0xffff;
	_ =	sdelay $0x4  }
0xae: {  	[tilespmem:s28+$0x10] =	vst v0  }
0xaf: {  	v0 =	vld [tilespmem:s26+$0x20];
	_ =	sdelay $0x7  }
0xb0: {  	v0 =	vld.idx.msk [tilespmem:v0+s17+$0x0], $0xffff;
	_ =	sdelay $0x4  }
0xb1: {  	[tilespmem:s28+$0x20] =	vst v0  }
0xb2: {  	v0 =	vld [tilespmem:s26+$0x30];
	_ =	sdelay $0x6  }
0xb3: {  	s25 =	sadd.s32 $0x8, s25  }
0xb4: {  	p0 =	slt.u32 s25, $0xF8;
	v0 =	vld.idx.msk [tilespmem:v0+s17+$0x0], $0xffff  }
.Ltmp4:
0xb5: {  	_ = 	snop;
	(pc) =	sbr.rel @p0 .LBB2_10-.Ltmp4, $2  }
0xb6: {  	_ =	sdelay $0x2  }
0xb7: {  	s26 =	sadd.s32 $0x80, s26;
	[tilespmem:s28+$0x30] =	vst v0;
	s28 =	sadd.s32 $0x80, s28  }
0xb8: {  	[hbm4b:s10+s15] =	stream.strided.scatter [tilespmem:s20], [sflag:$0x2], $0x1000, s16, s15, $0x38;
	[tilespmem:$0x1E700] =	vst v63  }
0xb9: {  	_ =	swait.ge [sflag:s23], $0x1000  }
0xba: {  	s25 =	simm.s32 $0xFFFFFFF8;
	[sflag:s23] =	ssyncset.done $0x0  }
0xbb: {  	s26 =	simm.s32 $0x1070;
	s28 =	simm.s32 $0x1D740;
	[sflag:s23] =	ssyncadd.s32 $0xFFFFF000  }
.LBB2_12:
0xbc: {  	v0 =	vld [tilespmem:s26+$0xFFFFFF90];
	_ =	sdelay $0x7  }
0xbd: {  	v0 =	vld.idx.msk [tilespmem:v0+s17+$0x0], $0xffff;
	_ =	sdelay $0x4  }
0xbe: {  	[tilespmem:s28+$0xFFFFFFC0] =	vst v0  }
0xbf: {  	v0 =	vld [tilespmem:s26+$0xFFFFFFA0];
	_ =	sdelay $0x7  }
0xc0: {  	v0 =	vld.idx.msk [tilespmem:v0+s17+$0x0], $0xffff;
	_ =	sdelay $0x4  }
0xc1: {  	[tilespmem:s28+$0xFFFFFFD0] =	vst v0  }
0xc2: {  	v0 =	vld [tilespmem:s26+$0xFFFFFFB0];
	_ =	sdelay $0x7  }
0xc3: {  	v0 =	vld.idx.msk [tilespmem:v0+s17+$0x0], $0xffff;
	_ =	sdelay $0x4  }
0xc4: {  	[tilespmem:s28+$0xFFFFFFE0] =	vst v0  }
0xc5: {  	v0 =	vld [tilespmem:s26+$0xFFFFFFC0];
	_ =	sdelay $0x7  }
0xc6: {  	v0 =	vld.idx.msk [tilespmem:v0+s17+$0x0], $0xffff;
	_ =	sdelay $0x4  }
0xc7: {  	[tilespmem:s28+$0xFFFFFFF0] =	vst v0  }
0xc8: {  	v0 =	vld [tilespmem:s26+$0xFFFFFFD0];
	_ =	sdelay $0x7  }
0xc9: {  	v0 =	vld.idx.msk [tilespmem:v0+s17+$0x0], $0xffff;
	_ =	sdelay $0x4  }
0xca: {  	[tilespmem:s28+$0x0] =	vst v0  }
0xcb: {  	v0 =	vld [tilespmem:s26+$0xFFFFFFE0];
	_ =	sdelay $0x7  }
0xcc: {  	v0 =	vld.idx.msk [tilespmem:v0+s17+$0x0], $0xffff;
	_ =	sdelay $0x4  }
0xcd: {  	[tilespmem:s28+$0x10] =	vst v0  }
0xce: {  	v0 =	vld [tilespmem:s26+$0xFFFFFFF0];
	_ =	sdelay $0x7  }
0xcf: {  	v0 =	vld.idx.msk [tilespmem:v0+s17+$0x0], $0xffff;
	_ =	sdelay $0x4  }
0xd0: {  	[tilespmem:s28+$0x20] =	vst v0  }
0xd1: {  	v0 =	vld [tilespmem:s26+$0x0];
	_ =	sdelay $0x6  }
0xd2: {  	s25 =	sadd.s32 $0x8, s25  }
0xd3: {  	p0 =	slt.u32 s25, $0xF8;
	v0 =	vld.idx.msk [tilespmem:v0+s17+$0x0], $0xffff  }
.Ltmp5:
0xd4: {  	_ = 	snop;
	(pc) =	sbr.rel @p0 .LBB2_12-.Ltmp5, $2  }
0xd5: {  	_ =	sdelay $0x2  }
0xd6: {  	s26 =	sadd.s32 $0x80, s26;
	[tilespmem:s28+$0x30] =	vst v0;
	s28 =	sadd.s32 $0x80, s28  }
0xd7: {  	[hbm4b:s11+s15] =	stream.strided.scatter [tilespmem:s21], [sflag:$0x3], $0x1000, s16, s15, $0x38;
	[tilespmem:$0x1E700] =	vst v63  }
0xd8: {  	_ =	swait.ge [sflag:s22], $0x1000  }
0xd9: {  	s25 =	simm.s32 $0xFFFFFFF8;
	[sflag:s22] =	ssyncset.done $0x0  }
0xda: {  	s26 =	simm.s32 $0x2070;
	s28 =	simm.s32 $0x1C740;
	[sflag:s22] =	ssyncadd.s32 $0xFFFFF000  }
.LBB2_14:
0xdb: {  	v0 =	vld [tilespmem:s26+$0xFFFFFF90];
	_ =	sdelay $0x7  }
0xdc: {  	v0 =	vld.idx.msk [tilespmem:v0+s17+$0x0], $0xffff;
	_ =	sdelay $0x4  }
0xdd: {  	[tilespmem:s28+$0xFFFFFFC0] =	vst v0  }
0xde: {  	v0 =	vld [tilespmem:s26+$0xFFFFFFA0];
	_ =	sdelay $0x7  }
0xdf: {  	v0 =	vld.idx.msk [tilespmem:v0+s17+$0x0], $0xffff;
	_ =	sdelay $0x4  }
0xe0: {  	[tilespmem:s28+$0xFFFFFFD0] =	vst v0  }
0xe1: {  	v0 =	vld [tilespmem:s26+$0xFFFFFFB0];
	_ =	sdelay $0x7  }
0xe2: {  	v0 =	vld.idx.msk [tilespmem:v0+s17+$0x0], $0xffff;
	_ =	sdelay $0x4  }
0xe3: {  	[tilespmem:s28+$0xFFFFFFE0] =	vst v0  }
0xe4: {  	v0 =	vld [tilespmem:s26+$0xFFFFFFC0];
	_ =	sdelay $0x7  }
0xe5: {  	v0 =	vld.idx.msk [tilespmem:v0+s17+$0x0], $0xffff;
	_ =	sdelay $0x4  }
0xe6: {  	[tilespmem:s28+$0xFFFFFFF0] =	vst v0  }
0xe7: {  	v0 =	vld [tilespmem:s26+$0xFFFFFFD0];
	_ =	sdelay $0x7  }
0xe8: {  	v0 =	vld.idx.msk [tilespmem:v0+s17+$0x0], $0xffff;
	_ =	sdelay $0x4  }
0xe9: {  	[tilespmem:s28+$0x0] =	vst v0  }
0xea: {  	v0 =	vld [tilespmem:s26+$0xFFFFFFE0];
	_ =	sdelay $0x7  }
0xeb: {  	v0 =	vld.idx.msk [tilespmem:v0+s17+$0x0], $0xffff;
	_ =	sdelay $0x4  }
0xec: {  	[tilespmem:s28+$0x10] =	vst v0  }
0xed: {  	v0 =	vld [tilespmem:s26+$0xFFFFFFF0];
	_ =	sdelay $0x7  }
0xee: {  	v0 =	vld.idx.msk [tilespmem:v0+s17+$0x0], $0xffff;
	_ =	sdelay $0x4  }
0xef: {  	[tilespmem:s28+$0x20] =	vst v0  }
0xf0: {  	v0 =	vld [tilespmem:s26+$0x0];
	_ =	sdelay $0x6  }
0xf1: {  	s25 =	sadd.s32 $0x8, s25  }
0xf2: {  	p0 =	slt.u32 s25, $0xF8;
	v0 =	vld.idx.msk [tilespmem:v0+s17+$0x0], $0xffff  }
.Ltmp6:
0xf3: {  	_ = 	snop;
	(pc) =	sbr.rel @p0 .LBB2_14-.Ltmp6, $2  }
0xf4: {  	_ =	sdelay $0x2  }
0xf5: {  	s26 =	sadd.s32 $0x80, s26;
	[tilespmem:s28+$0x30] =	vst v0;
	s28 =	sadd.s32 $0x80, s28  }
0xf6: {  	[hbm4b:s12+s15] =	stream.strided.scatter [tilespmem:s20], [sflag:$0x2], $0x1000, s16, s15, $0x38;
	[tilespmem:$0x1E700] =	vst v63  }
0xf7: {  	_ =	swait.ge [sflag:s23], $0x1000  }
0xf8: {  	s25 =	simm.s32 $0xFFFFFFF8;
	[sflag:s23] =	ssyncset.done $0x0  }
0xf9: {  	s26 =	simm.s32 $0x3070;
	s28 =	simm.s32 $0x1D740;
	[sflag:s23] =	ssyncadd.s32 $0xFFFFF000  }
.LBB2_16:
0xfa: {  	v0 =	vld [tilespmem:s26+$0xFFFFFF90];
	_ =	sdelay $0x7  }
0xfb: {  	v0 =	vld.idx.msk [tilespmem:v0+s17+$0x0], $0xffff;
	_ =	sdelay $0x4  }
0xfc: {  	[tilespmem:s28+$0xFFFFFFC0] =	vst v0  }
0xfd: {  	v0 =	vld [tilespmem:s26+$0xFFFFFFA0];
	_ =	sdelay $0x7  }
0xfe: {  	v0 =	vld.idx.msk [tilespmem:v0+s17+$0x0], $0xffff;
	_ =	sdelay $0x4  }
0xff: {  	[tilespmem:s28+$0xFFFFFFD0] =	vst v0  }
0x100: {  	v0 =	vld [tilespmem:s26+$0xFFFFFFB0];
	_ =	sdelay $0x7  }
0x101: {  	v0 =	vld.idx.msk [tilespmem:v0+s17+$0x0], $0xffff;
	_ =	sdelay $0x4  }
0x102: {  	[tilespmem:s28+$0xFFFFFFE0] =	vst v0  }
0x103: {  	v0 =	vld [tilespmem:s26+$0xFFFFFFC0];
	_ =	sdelay $0x7  }
0x104: {  	v0 =	vld.idx.msk [tilespmem:v0+s17+$0x0], $0xffff;
	_ =	sdelay $0x4  }
0x105: {  	[tilespmem:s28+$0xFFFFFFF0] =	vst v0  }
0x106: {  	v0 =	vld [tilespmem:s26+$0xFFFFFFD0];
	_ =	sdelay $0x7  }
0x107: {  	v0 =	vld.idx.msk [tilespmem:v0+s17+$0x0], $0xffff;
	_ =	sdelay $0x4  }
0x108: {  	[tilespmem:s28+$0x0] =	vst v0  }
0x109: {  	v0 =	vld [tilespmem:s26+$0xFFFFFFE0];
	_ =	sdelay $0x7  }
0x10a: {  	v0 =	vld.idx.msk [tilespmem:v0+s17+$0x0], $0xffff;
	_ =	sdelay $0x4  }
0x10b: {  	[tilespmem:s28+$0x10] =	vst v0  }
0x10c: {  	v0 =	vld [tilespmem:s26+$0xFFFFFFF0];
	_ =	sdelay $0x7  }
0x10d: {  	v0 =	vld.idx.msk [tilespmem:v0+s17+$0x0], $0xffff;
	_ =	sdelay $0x4  }
0x10e: {  	[tilespmem:s28+$0x20] =	vst v0  }
0x10f: {  	v0 =	vld [tilespmem:s26+$0x0];
	_ =	sdelay $0x6  }
0x110: {  	s25 =	sadd.s32 $0x8, s25  }
0x111: {  	p0 =	slt.u32 s25, $0xF8;
	v0 =	vld.idx.msk [tilespmem:v0+s17+$0x0], $0xffff  }
.Ltmp7:
0x112: {  	_ = 	snop;
	(pc) =	sbr.rel @p0 .LBB2_16-.Ltmp7, $2  }
0x113: {  	_ =	sdelay $0x2  }
0x114: {  	s26 =	sadd.s32 $0x80, s26;
	[tilespmem:s28+$0x30] =	vst v0;
	s28 =	sadd.s32 $0x80, s28  }
0x115: {  	[hbm4b:s13+s15] =	stream.strided.scatter [tilespmem:s21], [sflag:$0x3], $0x1000, s16, s15, $0x38;
	[tilespmem:$0x1E700] =	vst v63  }
0x116: {  	s24 =	sadd.s32 $0x1, s24  }
0x117: {  	_ =	swait.ge [sflag:s22], $0x1000;
	p0 =	sne.s32 s24, s14  }
.Ltmp8:
0x118: {  	[sflag:s22] =	ssyncset.done $0x0;
	(pc) =	sbr.rel @p0 .LBB2_1-.Ltmp8, $4  }
0x119: {  	[sflag:s22] =	ssyncadd.s32 $0xFFFFF000  }
0x11a: {  	_ =	swait.ge [sflag:s23], $0x1000  }
0x11b: {  	[sflag:s23] =	ssyncset.done $0x0  }
0x11c: {  	[sflag:s23] =	ssyncadd.s32 $0xFFFFF000  }
0x11d: {  	_ =	sfence.sel $0x180000  }
0x11e: {  	[bflag:$0x0] =	sbarrier.arrive $0xFFFF  }
0x11f: {  	p0 =	sne.s32 s2, $0x0;
	_ =	strace $0x90000047  }
0x120: {  	s0 =	sadd.s32 @!p0 $0x100000, s0;
	[bflag:$0x2] =	sbarrier.arrive $0xFFFF  }
0x121: {  	[sflag:s0] =	ssyncadd.tile.s32 @!p0 $0x1;
	_ =	shalt  }
.Lfunc_end2:
_tile_overlayer_lowered:
.L_overlay_start_2:
0x122: {  	(tag) =	ssettag $0x2  }
0x123: {  	s0 =	rddreg [dreg:$0x0];
	s2 =	stileid.u32  }
0x124: {  	s1 =	rddreg [dreg:$0x1];
	p0 =	sne.s32 s2, $0x0  }
0x125: {  	s3 =	rddreg [dreg:$0x2];
	[bflag:$0x3] =	sbarrier.arrive $0xFFFF;
	s2 =	simm.s32 @!p0 $0x1C04  }
0x126: {  	[timem:s3], [sflag:s2] =	dma.local @!p0 [hbm:s0], s1  }
0x127: {  	s0 =	simm.s32 @!p0 $0x4  }
0x128: {  	_ =	swait.ge @!p0 [sflag:s0], s1  }
0x129: {  	s1 =	ssub.s32 @!p0 $0x0, s1;
	[sflag:s0] =	ssyncset.done @!p0 $0x0  }
0x12a: {  	[sflag:s0] =	ssyncadd.s32 @!p0 s1  }
0x12b: {  	[bflag:$0x3] =	sbarrier.arrive $0xFFFF  }
0x12c: {  	_ =	shalt  }

</sc_bundles>
